<compile_context>
chip_gen: v7x
topology: tpu7x:2x2x1
jax: 0.10.2.dev20260603
libtpu: 0.0.44.dev20260713+nightly
codegen_flags: <defaults>
</compile_context>

<pallas_src>
import functools

import jax
import jax.numpy as jnp
from jax import lax
from jax.experimental import pallas as pl
from jax.experimental.pallas import tpu as pltpu
from jax.experimental.pallas import tpu_sc as plsc

_VOCAB = 64
_PAIR = _VOCAB * _VOCAB
_LANES = 128
_ROWS_PER_CHUNK = 2
_CHUNK = _LANES * _ROWS_PER_CHUNK
_NBUF = 2


def _table_body(e_ref, w_ref, b_ref, t_ref):
    t_ref[...] = lax.dot_general(
        e_ref[...], w_ref[...], (((1,), (1,)), ((), ())),
        preferred_element_type=jnp.float32) + b_ref[...]


def _pair_table_body(t_ref, out_ref):
    a = pl.program_id(0)
    left = jnp.broadcast_to(t_ref[pl.ds(a, 1), :], (_VOCAB, _VOCAB))
    out_ref[...] = jnp.concatenate([left, t_ref[...]], axis=1)


def _fuse_pair_table(embed_table, W, b):
    t = pl.pallas_call(
        _table_body,
        out_shape=jax.ShapeDtypeStruct((_VOCAB, _VOCAB), jnp.float32),
    )(embed_table, W, b.reshape(1, _VOCAB))
    return pl.pallas_call(
        _pair_table_body,
        grid=(_VOCAB,),
        in_specs=[pl.BlockSpec((_VOCAB, _VOCAB), lambda a: (0, 0))],
        out_specs=pl.BlockSpec((_VOCAB, 2 * _VOCAB), lambda a: (a, 0)),
        out_shape=jax.ShapeDtypeStruct((_PAIR, 2 * _VOCAB), jnp.float32),
    )(t)


def _pair_idx_body(e_ref, o_ref, out_ref):
    out_ref[...] = e_ref[...] * _VOCAB + o_ref[...]


def _pair_idx(ids_even, ids_odd):
    n = ids_even.shape[0]
    return pl.pallas_call(
        _pair_idx_body,
        out_shape=jax.ShapeDtypeStruct((n, _LANES), jnp.int32),
    )(ids_even, ids_odd)


@functools.lru_cache(maxsize=None)
def _gather_nw():
    info = plsc.get_sparse_core_info()
    return info.num_cores * info.num_subcores


@functools.lru_cache(maxsize=None)
def _make_gather(rows_total):
    info = plsc.get_sparse_core_info()
    nc, ns = info.num_cores, info.num_subcores
    nw = nc * ns
    rows_per_w = rows_total // nw
    n_chunks = rows_per_w // _ROWS_PER_CHUNK

    mesh = plsc.VectorSubcoreMesh(core_axis_name="c", subcore_axis_name="s")

    @functools.partial(
        pl.kernel, mesh=mesh,
        out_type=jax.ShapeDtypeStruct((rows_total * _LANES, 2 * _VOCAB),
                                      jnp.float32),
        scratch_types=[
            pltpu.VMEM_SHARED((_PAIR, 2 * _VOCAB), jnp.float32),
            pltpu.VMEM((rows_per_w, _LANES), jnp.int32),
            pltpu.VMEM((_NBUF, _CHUNK, 2 * _VOCAB), jnp.float32),
            pltpu.SemaphoreType.DMA((_NBUF,)),
            pltpu.SemaphoreType.DMA((_NBUF,)),
        ],
    )
    def gather(table_hbm, idx_hbm, out_hbm, table_sh, idx_v, rows_v,
               gsem, wsem):
        cid = lax.axis_index("c")
        sid = lax.axis_index("s")
        wid = sid * nc + cid
        row0 = wid * rows_per_w
        out0 = row0 * _LANES

        @pl.when(sid == 0)
        def _():
            pltpu.sync_copy(table_hbm, table_sh)
        plsc.subcore_barrier()

        pltpu.sync_copy(idx_hbm.at[wid], idx_v)

        def fire_gather(chunk, buf):
            for j in range(_ROWS_PER_CHUNK):
                pltpu.async_copy(
                    table_sh.at[idx_v.at[chunk * _ROWS_PER_CHUNK + j]],
                    rows_v.at[buf].at[pl.ds(j * _LANES, _LANES)],
                    gsem.at[buf])

        def wait_gather(buf):
            pltpu.make_async_copy(
                out_hbm.at[pl.ds(0, _CHUNK)], rows_v.at[buf],
                gsem.at[buf]).wait()

        def fire_wb(chunk, buf):
            pltpu.async_copy(
                rows_v.at[buf],
                out_hbm.at[pl.ds(out0 + chunk * _CHUNK, _CHUNK)],
                wsem.at[buf])

        def wait_wb(buf):
            pltpu.make_async_copy(
                rows_v.at[buf], out_hbm.at[pl.ds(0, _CHUNK)],
                wsem.at[buf]).wait()

        for b in range(_NBUF):
            fire_gather(b, b)

        def body(k, _):
            buf = lax.rem(k, _NBUF)
            wait_gather(buf)
            fire_wb(k, buf)

            @pl.when(k + _NBUF < n_chunks)
            def _():
                wait_wb(buf)
                fire_gather(k + _NBUF, buf)

            return 0

        lax.fori_loop(0, n_chunks, body, 0)

        for b in range(_NBUF):
            wait_wb(b)

    return gather


def _xpose_body(f_ref, out_ref):
    nb = f_ref.shape[1] // _LANES
    for k in range(nb):
        blk = f_ref[0, pl.ds(k * _LANES, _LANES), :]
        t = blk.T
        out_ref[:, :, pl.ds(k * _LANES, _LANES)] = t.reshape(2, _VOCAB,
                                                             _LANES)


def _xpose_body_chained(f_ref, prev_ref, out_ref):
    del prev_ref
    _xpose_body(f_ref, out_ref)


def _out_map(off, m):
    return (off + m, 0, 0)


def _xpose_parts(parts, bsz, seq):
    m_each = (seq // 2) // len(parts)
    out_shape = jax.ShapeDtypeStruct((seq, _VOCAB, bsz), jnp.float32)
    acc = None
    for i, flat_h in enumerate(parts):
        f3 = flat_h.reshape(m_each, bsz, _LANES)
        in_specs = [pl.BlockSpec((1, bsz, _LANES), lambda m: (m, 0, 0))]
        ops = [f3]
        kwargs = {}
        body = _xpose_body
        if acc is not None:
            in_specs.append(pl.BlockSpec(memory_space=pl.ANY))
            ops.append(acc)
            kwargs = dict(input_output_aliases={1: 0})
            body = _xpose_body_chained
        acc = pl.pallas_call(
            body,
            grid=(m_each,),
            in_specs=in_specs,
            out_specs=pl.BlockSpec((2, _VOCAB, bsz),
                                   functools.partial(_out_map, i * m_each)),
            out_shape=out_shape,
            **kwargs)(*ops)
    return jnp.transpose(acc, (2, 0, 1))


def kernel(input_ids, embed_table, W, b):
    table2 = _fuse_pair_table(embed_table, W, b)
    bsz, seq = input_ids.shape
    n_pairs = bsz * seq // 2
    rows_total = n_pairs // _LANES
    m_tot = seq // 2
    ids = input_ids.reshape(bsz, m_tot, 2).astype(jnp.int32)
    ids_even = ids[:, :, 0].T.reshape(rows_total, _LANES)
    ids_odd = ids[:, :, 1].T.reshape(rows_total, _LANES)
    idx = _pair_idx(ids_even, ids_odd)
    nw = _gather_nw()
    n_parts = 2
    rows_part = rows_total // n_parts
    gather = _make_gather(rows_part)
    parts = []
    for i in range(n_parts):
        idx_h = idx[i * rows_part:(i + 1) * rows_part]
        idx_h = idx_h.reshape(nw, rows_part // nw, _LANES)
        parts.append(gather(table2, idx_h))
    return _xpose_parts(parts, bsz, seq)

# --- scband reference (transcript-rebuilt; emitter-appended) ---
"""Pipeline reference for scband-tiny-student-369367187648 (READ-ONLY COPY).

The authoritative reference and input builder live on the scoring server;
editing this copy changes nothing except your own understanding.
"""

import jax, jax.numpy as jnp
import numpy as np

VOCAB = 64
EMBED_DIM = 16

def setup_inputs(seed: int = 0) -> dict:
    key = jax.random.key(seed)
    k1, k2, k3, k4 = jax.random.split(key, 4)
    input_ids = jax.random.randint(k1, (4096, 200), 0, VOCAB, dtype=jnp.int64 if jax.config.jax_enable_x64 else jnp.int32)
    embed_table = jax.random.normal(k2, (VOCAB, EMBED_DIM), dtype=jnp.float32)
    # nn.Linear(16, VOCAB): weight [VOCAB, 16], bias [VOCAB]
    W = jax.random.normal(k3, (VOCAB, EMBED_DIM), dtype=jnp.float32) * (1.0 / np.sqrt(EMBED_DIM))
    b = jax.random.normal(k4, (VOCAB,), dtype=jnp.float32) * 0.01
    return {"input_ids": input_ids, "embed_table": embed_table, "W": W, "b": b}

def reference(input_ids, embed_table, W, b):
    # x = self.embed(input_ids)  -> gather rows of embedding table
    x = jnp.take(embed_table, input_ids, axis=0)  # [B, L, 16]
    # logits = self.proj(x) = x @ W.T + b
    logits = jnp.einsum('bld,vd->blv', x, W) + b
    return logits

if __name__ == "__main__":
    import jax
    _d = setup_inputs()
    print(jax.jit(kernel)(*tuple(_d.values())))

</pallas_src>

<mosaic_0001>
#map = affine_map<(d0, d1) -> (0, 0)>
#map1 = affine_map<(d0, d1) -> (0, 0, 0)>
module attributes {stable_mosaic.version = 14 : i64} {
  func.func @gather(%arg0: i32, %arg1: i32, %arg2: memref<4096x128xf32, #tpu.memory_space<hbm>>, %arg3: memref<32x50x128xi32, #tpu.memory_space<hbm>>, %arg4: memref<204800x128xf32, #tpu.memory_space<hbm>>, %arg5: memref<4096x128xf32, #tpu.memory_space<vmem_shared>>, %arg6: memref<50x128xi32, #tpu.memory_space<vmem>>, %arg7: memref<2x256x128xf32, #tpu.memory_space<vmem>>, %arg8: memref<2x!tpu.dma_semaphore, #tpu.memory_space<semaphore_mem>>, %arg9: memref<2x!tpu.dma_semaphore, #tpu.memory_space<semaphore_mem>>) attributes {dimension_semantics = [#tpu.dimension_semantics<core_parallel>, #tpu.dimension_semantics<subcore_parallel>], iteration_bounds = array<i64: 2, 16>, scalar_prefetch = 0 : i64, scratch_operands = 5 : i64, tpu.core_type = #tpu.core_type<sc_vector_subcore>, window_params = [{transform_indices = #map}, {transform_indices = #map1}, {transform_indices = #map}]} {
    %mul3A = arith.constant 2 : i32
    %mul3A_0 = arith.muli %arg1, %mul3A : i32
    %add3A = arith.addi %mul3A_0, %arg0 : i32
    %mul3A_1 = arith.constant 50 : i32
    %mul3A_2 = arith.muli %add3A, %mul3A_1 : i32
    %mul3A_3 = arith.constant 128 : i32
    %mul3A_4 = arith.muli %mul3A_2, %mul3A_3 : i32
    %eq3A = arith.constant 0 : i32
    %eq3A_5 = arith.cmpi eq, %arg1, %eq3A : i32
    %convert_element_type3A = arith.extui %eq3A_5 : i1 to i32
    %cond3A = arith.constant 0 : i32
    %cond3A_6 = arith.cmpi ne, %convert_element_type3A, %cond3A : i32
    scf.if %cond3A_6 {
      "tpu.region"() ({
        %run_scoped3A = tpu.sem_alloc : memref<!tpu.dma_semaphore, #tpu.memory_space<semaphore_mem>>
        tpu.enqueue_dma source(%arg2 : memref<4096x128xf32, #tpu.memory_space<hbm>>) target(%arg5 : memref<4096x128xf32, #tpu.memory_space<vmem_shared>>) target_semaphore(%run_scoped3A : memref<!tpu.dma_semaphore, #tpu.memory_space<semaphore_mem>>)
        tpu.wait_dma2 semaphore(%run_scoped3A : memref<!tpu.dma_semaphore, #tpu.memory_space<semaphore_mem>>) src(%arg2 : memref<4096x128xf32, #tpu.memory_space<hbm>>) dst(%arg5 : memref<4096x128xf32, #tpu.memory_space<vmem_shared>>)
        tpu.yield
      }) : () -> ()
    } else {
    }
    %barrier3A = arith.constant 0 : index
    tpu.barrier barrier_id(%barrier3A)
    "tpu.region"() ({
      %run_scoped3A = tpu.sem_alloc : memref<!tpu.dma_semaphore, #tpu.memory_space<semaphore_mem>>
      %dma_start3A_119 = arith.constant 0 : i32
      %dma_start3A_120 = arith.constant 0 : i32
      %dma_start3A_121 = tpu.memref_slice %arg3[%add3A, %dma_start3A_119, %dma_start3A_120] : memref<32x50x128xi32, #tpu.memory_space<hbm>> -> memref<1x50x128xi32, #tpu.memory_space<hbm>>
      %dma_start3A_122 = tpu.memref_squeeze %dma_start3A_121 : memref<1x50x128xi32, #tpu.memory_space<hbm>> -> memref<50x128xi32, #tpu.memory_space<hbm>>
      %dma_start3A_123 = arith.constant 0 : i32
      %dma_start3A_124 = arith.constant 0 : i32
      %dma_start3A_125 = tpu.memref_slice %arg3[%add3A, %dma_start3A_123, %dma_start3A_124] : memref<32x50x128xi32, #tpu.memory_space<hbm>> -> memref<1x50x128xi32, #tpu.memory_space<hbm>>
      %dma_start3A_126 = tpu.memref_squeeze %dma_start3A_125 : memref<1x50x128xi32, #tpu.memory_space<hbm>> -> memref<50x128xi32, #tpu.memory_space<hbm>>
      tpu.enqueue_dma source(%dma_start3A_126 : memref<50x128xi32, #tpu.memory_space<hbm>>) target(%arg6 : memref<50x128xi32, #tpu.memory_space<vmem>>) target_semaphore(%run_scoped3A : memref<!tpu.dma_semaphore, #tpu.memory_space<semaphore_mem>>)
      %dma_wait3A_127 = arith.constant 0 : i32
      %dma_wait3A_128 = arith.constant 0 : i32
      %dma_wait3A_129 = tpu.memref_slice %arg3[%add3A, %dma_wait3A_127, %dma_wait3A_128] : memref<32x50x128xi32, #tpu.memory_space<hbm>> -> memref<1x50x128xi32, #tpu.memory_space<hbm>>
      %dma_wait3A_130 = tpu.memref_squeeze %dma_wait3A_129 : memref<1x50x128xi32, #tpu.memory_space<hbm>> -> memref<50x128xi32, #tpu.memory_space<hbm>>
      %dma_wait3A_131 = arith.constant 0 : i32
      %dma_wait3A_132 = arith.constant 0 : i32
      %dma_wait3A_133 = tpu.memref_slice %arg3[%add3A, %dma_wait3A_131, %dma_wait3A_132] : memref<32x50x128xi32, #tpu.memory_space<hbm>> -> memref<1x50x128xi32, #tpu.memory_space<hbm>>
      %dma_wait3A_134 = tpu.memref_squeeze %dma_wait3A_133 : memref<1x50x128xi32, #tpu.memory_space<hbm>> -> memref<50x128xi32, #tpu.memory_space<hbm>>
      tpu.wait_dma2 semaphore(%run_scoped3A : memref<!tpu.dma_semaphore, #tpu.memory_space<semaphore_mem>>) src(%dma_wait3A_134 : memref<50x128xi32, #tpu.memory_space<hbm>>) dst(%arg6 : memref<50x128xi32, #tpu.memory_space<vmem>>)
      tpu.yield
    }) : () -> ()
    %dma_start3A = arith.constant 0 : i32
    %dma_start3A_7 = arith.constant 0 : i32
    %dma_start3A_8 = arith.constant 0 : i32
    %dma_start3A_9 = arith.constant 0 : i32
    %dma_start3A_10 = arith.constant 0 : i32
    %dma_start3A_11 = tpu.memref_slice %arg7[%dma_start3A_7, %dma_start3A_9, %dma_start3A_10] : memref<2x256x128xf32, #tpu.memory_space<vmem>> -> memref<1x256x128xf32, #tpu.memory_space<vmem>>
    %dma_start3A_12 = tpu.memref_squeeze %dma_start3A_11 : memref<1x256x128xf32, #tpu.memory_space<vmem>> -> memref<256x128xf32, #tpu.memory_space<vmem>>
    %dma_start3A_13 = arith.constant 0 : i32
    %dma_start3A_14 = arith.constant 0 : i32
    %dma_start3A_15 = tpu.memref_slice %dma_start3A_12[%dma_start3A_13, %dma_start3A_14] : memref<256x128xf32, #tpu.memory_space<vmem>> -> memref<128x128xf32, #tpu.memory_space<vmem>>
    %dma_start3A_16 = arith.constant 0 : i32
    %dma_start3A_17 = tpu.memref_slice %arg6[%dma_start3A, %dma_start3A_16] : memref<50x128xi32, #tpu.memory_space<vmem>> -> memref<1x128xi32, #tpu.memory_space<vmem>>
    %dma_start3A_18 = tpu.memref_squeeze %dma_start3A_17 : memref<1x128xi32, #tpu.memory_space<vmem>> -> memref<128xi32, #tpu.memory_space<vmem>>
    %dma_start3A_19 = arith.constant 0 : i32
    %dma_start3A_20 = arith.constant 0 : i32
    %dma_start3A_21 = tpu.memref_slice %arg5[%dma_start3A_19, %dma_start3A_20] : memref<4096x128xf32, #tpu.memory_space<vmem_shared>> -> memref<4096x128xf32, #tpu.memory_space<vmem_shared>>
    %dma_start3A_22 = tpu.memref_slice %arg8[%dma_start3A_8] : memref<2x!tpu.dma_semaphore, #tpu.memory_space<semaphore_mem>> -> memref<1x!tpu.dma_semaphore, #tpu.memory_space<semaphore_mem>>
    %dma_start3A_23 = tpu.memref_squeeze %dma_start3A_22 : memref<1x!tpu.dma_semaphore, #tpu.memory_space<semaphore_mem>> -> memref<!tpu.dma_semaphore, #tpu.memory_space<semaphore_mem>>
    tpu.enqueue_indirect_dma source(%dma_start3A_21 : memref<4096x128xf32, #tpu.memory_space<vmem_shared>>) target(%dma_start3A_15 : memref<128x128xf32, #tpu.memory_space<vmem>>) offsets(%dma_start3A_18 : memref<128xi32, #tpu.memory_space<vmem>>) semaphore(%dma_start3A_23 : memref<!tpu.dma_semaphore, #tpu.memory_space<semaphore_mem>>)
    %dma_start3A_24 = arith.constant 1 : i32
    %dma_start3A_25 = arith.constant 0 : i32
    %dma_start3A_26 = arith.constant 0 : i32
    %dma_start3A_27 = arith.constant 0 : i32
    %dma_start3A_28 = arith.constant 0 : i32
    %dma_start3A_29 = tpu.memref_slice %arg7[%dma_start3A_25, %dma_start3A_27, %dma_start3A_28] : memref<2x256x128xf32, #tpu.memory_space<vmem>> -> memref<1x256x128xf32, #tpu.memory_space<vmem>>
    %dma_start3A_30 = tpu.memref_squeeze %dma_start3A_29 : memref<1x256x128xf32, #tpu.memory_space<vmem>> -> memref<256x128xf32, #tpu.memory_space<vmem>>
    %dma_start3A_31 = arith.constant 128 : i32
    %dma_start3A_32 = arith.constant 0 : i32
    %dma_start3A_33 = tpu.memref_slice %dma_start3A_30[%dma_start3A_31, %dma_start3A_32] : memref<256x128xf32, #tpu.memory_space<vmem>> -> memref<128x128xf32, #tpu.memory_space<vmem>>
    %dma_start3A_34 = arith.constant 0 : i32
    %dma_start3A_35 = tpu.memref_slice %arg6[%dma_start3A_24, %dma_start3A_34] : memref<50x128xi32, #tpu.memory_space<vmem>> -> memref<1x128xi32, #tpu.memory_space<vmem>>
    %dma_start3A_36 = tpu.memref_squeeze %dma_start3A_35 : memref<1x128xi32, #tpu.memory_space<vmem>> -> memref<128xi32, #tpu.memory_space<vmem>>
    %dma_start3A_37 = arith.constant 0 : i32
    %dma_start3A_38 = arith.constant 0 : i32
    %dma_start3A_39 = tpu.memref_slice %arg5[%dma_start3A_37, %dma_start3A_38] : memref<4096x128xf32, #tpu.memory_space<vmem_shared>> -> memref<4096x128xf32, #tpu.memory_space<vmem_shared>>
    %dma_start3A_40 = tpu.memref_slice %arg8[%dma_start3A_26] : memref<2x!tpu.dma_semaphore, #tpu.memory_space<semaphore_mem>> -> memref<1x!tpu.dma_semaphore, #tpu.memory_space<semaphore_mem>>
    %dma_start3A_41 = tpu.memref_squeeze %dma_start3A_40 : memref<1x!tpu.dma_semaphore, #tpu.memory_space<semaphore_mem>> -> memref<!tpu.dma_semaphore, #tpu.memory_space<semaphore_mem>>
    tpu.enqueue_indirect_dma source(%dma_start3A_39 : memref<4096x128xf32, #tpu.memory_space<vmem_shared>>) target(%dma_start3A_33 : memref<128x128xf32, #tpu.memory_space<vmem>>) offsets(%dma_start3A_36 : memref<128xi32, #tpu.memory_space<vmem>>) semaphore(%dma_start3A_41 : memref<!tpu.dma_semaphore, #tpu.memory_space<semaphore_mem>>)
    %dma_start3A_42 = arith.constant 2 : i32
    %dma_start3A_43 = arith.constant 1 : i32
    %dma_start3A_44 = arith.constant 1 : i32
    %dma_start3A_45 = arith.constant 0 : i32
    %dma_start3A_46 = arith.constant 0 : i32
    %dma_start3A_47 = tpu.memref_slice %arg7[%dma_start3A_43, %dma_start3A_45, %dma_start3A_46] : memref<2x256x128xf32, #tpu.memory_space<vmem>> -> memref<1x256x128xf32, #tpu.memory_space<vmem>>
    %dma_start3A_48 = tpu.memref_squeeze %dma_start3A_47 : memref<1x256x128xf32, #tpu.memory_space<vmem>> -> memref<256x128xf32, #tpu.memory_space<vmem>>
    %dma_start3A_49 = arith.constant 0 : i32
    %dma_start3A_50 = arith.constant 0 : i32
    %dma_start3A_51 = tpu.memref_slice %dma_start3A_48[%dma_start3A_49, %dma_start3A_50] : memref<256x128xf32, #tpu.memory_space<vmem>> -> memref<128x128xf32, #tpu.memory_space<vmem>>
    %dma_start3A_52 = arith.constant 0 : i32
    %dma_start3A_53 = tpu.memref_slice %arg6[%dma_start3A_42, %dma_start3A_52] : memref<50x128xi32, #tpu.memory_space<vmem>> -> memref<1x128xi32, #tpu.memory_space<vmem>>
    %dma_start3A_54 = tpu.memref_squeeze %dma_start3A_53 : memref<1x128xi32, #tpu.memory_space<vmem>> -> memref<128xi32, #tpu.memory_space<vmem>>
    %dma_start3A_55 = arith.constant 0 : i32
    %dma_start3A_56 = arith.constant 0 : i32
    %dma_start3A_57 = tpu.memref_slice %arg5[%dma_start3A_55, %dma_start3A_56] : memref<4096x128xf32, #tpu.memory_space<vmem_shared>> -> memref<4096x128xf32, #tpu.memory_space<vmem_shared>>
    %dma_start3A_58 = tpu.memref_slice %arg8[%dma_start3A_44] : memref<2x!tpu.dma_semaphore, #tpu.memory_space<semaphore_mem>> -> memref<1x!tpu.dma_semaphore, #tpu.memory_space<semaphore_mem>>
    %dma_start3A_59 = tpu.memref_squeeze %dma_start3A_58 : memref<1x!tpu.dma_semaphore, #tpu.memory_space<semaphore_mem>> -> memref<!tpu.dma_semaphore, #tpu.memory_space<semaphore_mem>>
    tpu.enqueue_indirect_dma source(%dma_start3A_57 : memref<4096x128xf32, #tpu.memory_space<vmem_shared>>) target(%dma_start3A_51 : memref<128x128xf32, #tpu.memory_space<vmem>>) offsets(%dma_start3A_54 : memref<128xi32, #tpu.memory_space<vmem>>) semaphore(%dma_start3A_59 : memref<!tpu.dma_semaphore, #tpu.memory_space<semaphore_mem>>)
    %dma_start3A_60 = arith.constant 3 : i32
    %dma_start3A_61 = arith.constant 1 : i32
    %dma_start3A_62 = arith.constant 1 : i32
    %dma_start3A_63 = arith.constant 0 : i32
    %dma_start3A_64 = arith.constant 0 : i32
    %dma_start3A_65 = tpu.memref_slice %arg7[%dma_start3A_61, %dma_start3A_63, %dma_start3A_64] : memref<2x256x128xf32, #tpu.memory_space<vmem>> -> memref<1x256x128xf32, #tpu.memory_space<vmem>>
    %dma_start3A_66 = tpu.memref_squeeze %dma_start3A_65 : memref<1x256x128xf32, #tpu.memory_space<vmem>> -> memref<256x128xf32, #tpu.memory_space<vmem>>
    %dma_start3A_67 = arith.constant 128 : i32
    %dma_start3A_68 = arith.constant 0 : i32
    %dma_start3A_69 = tpu.memref_slice %dma_start3A_66[%dma_start3A_67, %dma_start3A_68] : memref<256x128xf32, #tpu.memory_space<vmem>> -> memref<128x128xf32, #tpu.memory_space<vmem>>
    %dma_start3A_70 = arith.constant 0 : i32
    %dma_start3A_71 = tpu.memref_slice %arg6[%dma_start3A_60, %dma_start3A_70] : memref<50x128xi32, #tpu.memory_space<vmem>> -> memref<1x128xi32, #tpu.memory_space<vmem>>
    %dma_start3A_72 = tpu.memref_squeeze %dma_start3A_71 : memref<1x128xi32, #tpu.memory_space<vmem>> -> memref<128xi32, #tpu.memory_space<vmem>>
    %dma_start3A_73 = arith.constant 0 : i32
    %dma_start3A_74 = arith.constant 0 : i32
    %dma_start3A_75 = tpu.memref_slice %arg5[%dma_start3A_73, %dma_start3A_74] : memref<4096x128xf32, #tpu.memory_space<vmem_shared>> -> memref<4096x128xf32, #tpu.memory_space<vmem_shared>>
    %dma_start3A_76 = tpu.memref_slice %arg8[%dma_start3A_62] : memref<2x!tpu.dma_semaphore, #tpu.memory_space<semaphore_mem>> -> memref<1x!tpu.dma_semaphore, #tpu.memory_space<semaphore_mem>>
    %dma_start3A_77 = tpu.memref_squeeze %dma_start3A_76 : memref<1x!tpu.dma_semaphore, #tpu.memory_space<semaphore_mem>> -> memref<!tpu.dma_semaphore, #tpu.memory_space<semaphore_mem>>
    tpu.enqueue_indirect_dma source(%dma_start3A_75 : memref<4096x128xf32, #tpu.memory_space<vmem_shared>>) target(%dma_start3A_69 : memref<128x128xf32, #tpu.memory_space<vmem>>) offsets(%dma_start3A_72 : memref<128xi32, #tpu.memory_space<vmem>>) semaphore(%dma_start3A_77 : memref<!tpu.dma_semaphore, #tpu.memory_space<semaphore_mem>>)
    %scan3A = arith.constant 0 : i32
    %scan3A_78 = arith.constant 0 : i32
    %scan3A_79 = arith.constant 25 : i32
    %scan3A_80 = arith.addi %scan3A_78, %scan3A_79 : i32
    %scan3A_81 = arith.constant 1 : i32
    %scan3A_82 = scf.for %scan3A_119 = %scan3A_78 to %scan3A_80 step %scan3A_81 iter_args(%scan3A_120 = %scan3A) -> (i32)  : i32 {
      %rem3A = arith.constant 2 : i32
      %rem3A_121 = arith.remsi %scan3A_119, %rem3A : i32
      %dma_wait3A_122 = arith.constant 0 : i32
      %dma_wait3A_123 = arith.constant 0 : i32
      %dma_wait3A_124 = tpu.memref_slice %arg7[%rem3A_121, %dma_wait3A_122, %dma_wait3A_123] : memref<2x256x128xf32, #tpu.memory_space<vmem>> -> memref<1x256x128xf32, #tpu.memory_space<vmem>>
      %dma_wait3A_125 = tpu.memref_squeeze %dma_wait3A_124 : memref<1x256x128xf32, #tpu.memory_space<vmem>> -> memref<256x128xf32, #tpu.memory_space<vmem>>
      %dma_wait3A_126 = arith.constant 0 : i32
      %dma_wait3A_127 = arith.constant 0 : i32
      %dma_wait3A_128 = tpu.memref_slice %arg4[%dma_wait3A_126, %dma_wait3A_127] : memref<204800x128xf32, #tpu.memory_space<hbm>> -> memref<256x128xf32, #tpu.memory_space<hbm>>
      %dma_wait3A_129 = tpu.memref_slice %arg8[%rem3A_121] : memref<2x!tpu.dma_semaphore, #tpu.memory_space<semaphore_mem>> -> memref<1x!tpu.dma_semaphore, #tpu.memory_space<semaphore_mem>>
      %dma_wait3A_130 = tpu.memref_squeeze %dma_wait3A_129 : memref<1x!tpu.dma_semaphore, #tpu.memory_space<semaphore_mem>> -> memref<!tpu.dma_semaphore, #tpu.memory_space<semaphore_mem>>
      %dma_wait3A_131 = arith.constant 0 : i32
      %dma_wait3A_132 = arith.constant 0 : i32
      %dma_wait3A_133 = tpu.memref_slice %arg7[%rem3A_121, %dma_wait3A_131, %dma_wait3A_132] : memref<2x256x128xf32, #tpu.memory_space<vmem>> -> memref<1x256x128xf32, #tpu.memory_space<vmem>>
      %dma_wait3A_134 = tpu.memref_squeeze %dma_wait3A_133 : memref<1x256x128xf32, #tpu.memory_space<vmem>> -> memref<256x128xf32, #tpu.memory_space<vmem>>
      %dma_wait3A_135 = arith.constant 0 : i32
      %dma_wait3A_136 = arith.constant 0 : i32
      %dma_wait3A_137 = tpu.memref_slice %arg4[%dma_wait3A_135, %dma_wait3A_136] : memref<204800x128xf32, #tpu.memory_space<hbm>> -> memref<256x128xf32, #tpu.memory_space<hbm>>
      tpu.wait_dma2 semaphore(%dma_wait3A_130 : memref<!tpu.dma_semaphore, #tpu.memory_space<semaphore_mem>>) src(%dma_wait3A_137 : memref<256x128xf32, #tpu.memory_space<hbm>>) dst(%dma_wait3A_134 : memref<256x128xf32, #tpu.memory_space<vmem>>)
      %mul3A_138 = arith.constant 256 : i32
      %mul3A_139 = arith.muli %scan3A_119, %mul3A_138 : i32
      %add3A_140 = arith.addi %mul3A_4, %mul3A_139 : i32
      %dma_start3A_141 = arith.constant 0 : i32
      %dma_start3A_142 = arith.constant 0 : i32
      %dma_start3A_143 = tpu.memref_slice %arg7[%rem3A_121, %dma_start3A_141, %dma_start3A_142] : memref<2x256x128xf32, #tpu.memory_space<vmem>> -> memref<1x256x128xf32, #tpu.memory_space<vmem>>
      %dma_start3A_144 = tpu.memref_squeeze %dma_start3A_143 : memref<1x256x128xf32, #tpu.memory_space<vmem>> -> memref<256x128xf32, #tpu.memory_space<vmem>>
      %dma_start3A_145 = arith.constant 0 : i32
      %dma_start3A_146 = tpu.memref_slice %arg4[%add3A_140, %dma_start3A_145] : memref<204800x128xf32, #tpu.memory_space<hbm>> -> memref<256x128xf32, #tpu.memory_space<hbm>>
      %dma_start3A_147 = tpu.memref_slice %arg9[%rem3A_121] : memref<2x!tpu.dma_semaphore, #tpu.memory_space<semaphore_mem>> -> memref<1x!tpu.dma_semaphore, #tpu.memory_space<semaphore_mem>>
      %dma_start3A_148 = tpu.memref_squeeze %dma_start3A_147 : memref<1x!tpu.dma_semaphore, #tpu.memory_space<semaphore_mem>> -> memref<!tpu.dma_semaphore, #tpu.memory_space<semaphore_mem>>
      %dma_start3A_149 = arith.constant 0 : i32
      %dma_start3A_150 = tpu.memref_slice %arg4[%add3A_140, %dma_start3A_149] : memref<204800x128xf32, #tpu.memory_space<hbm>> -> memref<256x128xf32, #tpu.memory_space<hbm>>
      %dma_start3A_151 = arith.constant 0 : i32
      %dma_start3A_152 = arith.constant 0 : i32
      %dma_start3A_153 = tpu.memref_slice %arg7[%rem3A_121, %dma_start3A_151, %dma_start3A_152] : memref<2x256x128xf32, #tpu.memory_space<vmem>> -> memref<1x256x128xf32, #tpu.memory_space<vmem>>
      %dma_start3A_154 = tpu.memref_squeeze %dma_start3A_153 : memref<1x256x128xf32, #tpu.memory_space<vmem>> -> memref<256x128xf32, #tpu.memory_space<vmem>>
      tpu.enqueue_dma source(%dma_start3A_154 : memref<256x128xf32, #tpu.memory_space<vmem>>) target(%dma_start3A_150 : memref<256x128xf32, #tpu.memory_space<hbm>>) target_semaphore(%dma_start3A_148 : memref<!tpu.dma_semaphore, #tpu.memory_space<semaphore_mem>>)
      %add3A_155 = arith.constant 2 : i32
      %add3A_156 = arith.addi %scan3A_119, %add3A_155 : i32
      %lt3A = arith.constant 25 : i32
      %lt3A_157 = arith.cmpi slt, %add3A_156, %lt3A : i32
      %convert_element_type3A_158 = arith.extui %lt3A_157 : i1 to i32
      %cond3A_159 = arith.constant 0 : i32
      %cond3A_160 = arith.cmpi ne, %convert_element_type3A_158, %cond3A_159 : i32
      scf.if %cond3A_160 {
        %dma_wait3A_162 = arith.constant 0 : i32
        %dma_wait3A_163 = arith.constant 0 : i32
        %dma_wait3A_164 = tpu.memref_slice %arg7[%rem3A_121, %dma_wait3A_162, %dma_wait3A_163] : memref<2x256x128xf32, #tpu.memory_space<vmem>> -> memref<1x256x128xf32, #tpu.memory_space<vmem>>
        %dma_wait3A_165 = tpu.memref_squeeze %dma_wait3A_164 : memref<1x256x128xf32, #tpu.memory_space<vmem>> -> memref<256x128xf32, #tpu.memory_space<vmem>>
        %dma_wait3A_166 = arith.constant 0 : i32
        %dma_wait3A_167 = arith.constant 0 : i32
        %dma_wait3A_168 = tpu.memref_slice %arg4[%dma_wait3A_166, %dma_wait3A_167] : memref<204800x128xf32, #tpu.memory_space<hbm>> -> memref<256x128xf32, #tpu.memory_space<hbm>>
        %dma_wait3A_169 = tpu.memref_slice %arg9[%rem3A_121] : memref<2x!tpu.dma_semaphore, #tpu.memory_space<semaphore_mem>> -> memref<1x!tpu.dma_semaphore, #tpu.memory_space<semaphore_mem>>
        %dma_wait3A_170 = tpu.memref_squeeze %dma_wait3A_169 : memref<1x!tpu.dma_semaphore, #tpu.memory_space<semaphore_mem>> -> memref<!tpu.dma_semaphore, #tpu.memory_space<semaphore_mem>>
        %dma_wait3A_171 = arith.constant 0 : i32
        %dma_wait3A_172 = arith.constant 0 : i32
        %dma_wait3A_173 = tpu.memref_slice %arg4[%dma_wait3A_171, %dma_wait3A_172] : memref<204800x128xf32, #tpu.memory_space<hbm>> -> memref<256x128xf32, #tpu.memory_space<hbm>>
        %dma_wait3A_174 = arith.constant 0 : i32
        %dma_wait3A_175 = arith.constant 0 : i32
        %dma_wait3A_176 = tpu.memref_slice %arg7[%rem3A_121, %dma_wait3A_174, %dma_wait3A_175] : memref<2x256x128xf32, #tpu.memory_space<vmem>> -> memref<1x256x128xf32, #tpu.memory_space<vmem>>
        %dma_wait3A_177 = tpu.memref_squeeze %dma_wait3A_176 : memref<1x256x128xf32, #tpu.memory_space<vmem>> -> memref<256x128xf32, #tpu.memory_space<vmem>>
        tpu.wait_dma2 semaphore(%dma_wait3A_170 : memref<!tpu.dma_semaphore, #tpu.memory_space<semaphore_mem>>) src(%dma_wait3A_177 : memref<256x128xf32, #tpu.memory_space<vmem>>) dst(%dma_wait3A_173 : memref<256x128xf32, #tpu.memory_space<hbm>>)
        %add3A_178 = arith.constant 2 : i32
        %add3A_179 = arith.addi %scan3A_119, %add3A_178 : i32
        %mul3A_180 = arith.constant 2 : i32
        %mul3A_181 = arith.muli %add3A_179, %mul3A_180 : i32
        %add3A_182 = arith.constant 0 : i32
        %add3A_183 = arith.addi %mul3A_181, %add3A_182 : i32
        %dma_start3A_184 = arith.constant 0 : i32
        %dma_start3A_185 = arith.constant 0 : i32
        %dma_start3A_186 = tpu.memref_slice %arg7[%rem3A_121, %dma_start3A_184, %dma_start3A_185] : memref<2x256x128xf32, #tpu.memory_space<vmem>> -> memref<1x256x128xf32, #tpu.memory_space<vmem>>
        %dma_start3A_187 = tpu.memref_squeeze %dma_start3A_186 : memref<1x256x128xf32, #tpu.memory_space<vmem>> -> memref<256x128xf32, #tpu.memory_space<vmem>>
        %dma_start3A_188 = arith.constant 0 : i32
        %dma_start3A_189 = arith.constant 0 : i32
        %dma_start3A_190 = tpu.memref_slice %dma_start3A_187[%dma_start3A_188, %dma_start3A_189] : memref<256x128xf32, #tpu.memory_space<vmem>> -> memref<128x128xf32, #tpu.memory_space<vmem>>
        %dma_start3A_191 = arith.constant 0 : i32
        %dma_start3A_192 = tpu.memref_slice %arg6[%add3A_183, %dma_start3A_191] : memref<50x128xi32, #tpu.memory_space<vmem>> -> memref<1x128xi32, #tpu.memory_space<vmem>>
        %dma_start3A_193 = tpu.memref_squeeze %dma_start3A_192 : memref<1x128xi32, #tpu.memory_space<vmem>> -> memref<128xi32, #tpu.memory_space<vmem>>
        %dma_start3A_194 = arith.constant 0 : i32
        %dma_start3A_195 = arith.constant 0 : i32
        %dma_start3A_196 = tpu.memref_slice %arg5[%dma_start3A_194, %dma_start3A_195] : memref<4096x128xf32, #tpu.memory_space<vmem_shared>> -> memref<4096x128xf32, #tpu.memory_space<vmem_shared>>
        %dma_start3A_197 = tpu.memref_slice %arg8[%rem3A_121] : memref<2x!tpu.dma_semaphore, #tpu.memory_space<semaphore_mem>> -> memref<1x!tpu.dma_semaphore, #tpu.memory_space<semaphore_mem>>
        %dma_start3A_198 = tpu.memref_squeeze %dma_start3A_197 : memref<1x!tpu.dma_semaphore, #tpu.memory_space<semaphore_mem>> -> memref<!tpu.dma_semaphore, #tpu.memory_space<semaphore_mem>>
        tpu.enqueue_indirect_dma source(%dma_start3A_196 : memref<4096x128xf32, #tpu.memory_space<vmem_shared>>) target(%dma_start3A_190 : memref<128x128xf32, #tpu.memory_space<vmem>>) offsets(%dma_start3A_193 : memref<128xi32, #tpu.memory_space<vmem>>) semaphore(%dma_start3A_198 : memref<!tpu.dma_semaphore, #tpu.memory_space<semaphore_mem>>)
        %mul3A_199 = arith.constant 2 : i32
        %mul3A_200 = arith.muli %add3A_179, %mul3A_199 : i32
        %add3A_201 = arith.constant 1 : i32
        %add3A_202 = arith.addi %mul3A_200, %add3A_201 : i32
        %dma_start3A_203 = arith.constant 0 : i32
        %dma_start3A_204 = arith.constant 0 : i32
        %dma_start3A_205 = tpu.memref_slice %arg7[%rem3A_121, %dma_start3A_203, %dma_start3A_204] : memref<2x256x128xf32, #tpu.memory_space<vmem>> -> memref<1x256x128xf32, #tpu.memory_space<vmem>>
        %dma_start3A_206 = tpu.memref_squeeze %dma_start3A_205 : memref<1x256x128xf32, #tpu.memory_space<vmem>> -> memref<256x128xf32, #tpu.memory_space<vmem>>
        %dma_start3A_207 = arith.constant 128 : i32
        %dma_start3A_208 = arith.constant 0 : i32
        %dma_start3A_209 = tpu.memref_slice %dma_start3A_206[%dma_start3A_207, %dma_start3A_208] : memref<256x128xf32, #tpu.memory_space<vmem>> -> memref<128x128xf32, #tpu.memory_space<vmem>>
        %dma_start3A_210 = arith.constant 0 : i32
        %dma_start3A_211 = tpu.memref_slice %arg6[%add3A_202, %dma_start3A_210] : memref<50x128xi32, #tpu.memory_space<vmem>> -> memref<1x128xi32, #tpu.memory_space<vmem>>
        %dma_start3A_212 = tpu.memref_squeeze %dma_start3A_211 : memref<1x128xi32, #tpu.memory_space<vmem>> -> memref<128xi32, #tpu.memory_space<vmem>>
        %dma_start3A_213 = arith.constant 0 : i32
        %dma_start3A_214 = arith.constant 0 : i32
        %dma_start3A_215 = tpu.memref_slice %arg5[%dma_start3A_213, %dma_start3A_214] : memref<4096x128xf32, #tpu.memory_space<vmem_shared>> -> memref<4096x128xf32, #tpu.memory_space<vmem_shared>>
        %dma_start3A_216 = tpu.memref_slice %arg8[%rem3A_121] : memref<2x!tpu.dma_semaphore, #tpu.memory_space<semaphore_mem>> -> memref<1x!tpu.dma_semaphore, #tpu.memory_space<semaphore_mem>>
        %dma_start3A_217 = tpu.memref_squeeze %dma_start3A_216 : memref<1x!tpu.dma_semaphore, #tpu.memory_space<semaphore_mem>> -> memref<!tpu.dma_semaphore, #tpu.memory_space<semaphore_mem>>
        tpu.enqueue_indirect_dma source(%dma_start3A_215 : memref<4096x128xf32, #tpu.memory_space<vmem_shared>>) target(%dma_start3A_209 : memref<128x128xf32, #tpu.memory_space<vmem>>) offsets(%dma_start3A_212 : memref<128xi32, #tpu.memory_space<vmem>>) semaphore(%dma_start3A_217 : memref<!tpu.dma_semaphore, #tpu.memory_space<semaphore_mem>>)
      } else {
      }
      %scan3A_161 = arith.constant 0 : i32
      scf.yield %scan3A_161 : i32
    }
    %scan3A_83 = arith.constant 25 : i32
    %dma_wait3A = arith.constant 0 : i32
    %dma_wait3A_84 = arith.constant 0 : i32
    %dma_wait3A_85 = arith.constant 0 : i32
    %dma_wait3A_86 = arith.constant 0 : i32
    %dma_wait3A_87 = tpu.memref_slice %arg7[%dma_wait3A, %dma_wait3A_85, %dma_wait3A_86] : memref<2x256x128xf32, #tpu.memory_space<vmem>> -> memref<1x256x128xf32, #tpu.memory_space<vmem>>
    %dma_wait3A_88 = tpu.memref_squeeze %dma_wait3A_87 : memref<1x256x128xf32, #tpu.memory_space<vmem>> -> memref<256x128xf32, #tpu.memory_space<vmem>>
    %dma_wait3A_89 = arith.constant 0 : i32
    %dma_wait3A_90 = arith.constant 0 : i32
    %dma_wait3A_91 = tpu.memref_slice %arg4[%dma_wait3A_89, %dma_wait3A_90] : memref<204800x128xf32, #tpu.memory_space<hbm>> -> memref<256x128xf32, #tpu.memory_space<hbm>>
    %dma_wait3A_92 = tpu.memref_slice %arg9[%dma_wait3A_84] : memref<2x!tpu.dma_semaphore, #tpu.memory_space<semaphore_mem>> -> memref<1x!tpu.dma_semaphore, #tpu.memory_space<semaphore_mem>>
    %dma_wait3A_93 = tpu.memref_squeeze %dma_wait3A_92 : memref<1x!tpu.dma_semaphore, #tpu.memory_space<semaphore_mem>> -> memref<!tpu.dma_semaphore, #tpu.memory_space<semaphore_mem>>
    %dma_wait3A_94 = arith.constant 0 : i32
    %dma_wait3A_95 = arith.constant 0 : i32
    %dma_wait3A_96 = tpu.memref_slice %arg4[%dma_wait3A_94, %dma_wait3A_95] : memref<204800x128xf32, #tpu.memory_space<hbm>> -> memref<256x128xf32, #tpu.memory_space<hbm>>
    %dma_wait3A_97 = arith.constant 0 : i32
    %dma_wait3A_98 = arith.constant 0 : i32
    %dma_wait3A_99 = tpu.memref_slice %arg7[%dma_wait3A, %dma_wait3A_97, %dma_wait3A_98] : memref<2x256x128xf32, #tpu.memory_space<vmem>> -> memref<1x256x128xf32, #tpu.memory_space<vmem>>
    %dma_wait3A_100 = tpu.memref_squeeze %dma_wait3A_99 : memref<1x256x128xf32, #tpu.memory_space<vmem>> -> memref<256x128xf32, #tpu.memory_space<vmem>>
    tpu.wait_dma2 semaphore(%dma_wait3A_93 : memref<!tpu.dma_semaphore, #tpu.memory_space<semaphore_mem>>) src(%dma_wait3A_100 : memref<256x128xf32, #tpu.memory_space<vmem>>) dst(%dma_wait3A_96 : memref<256x128xf32, #tpu.memory_space<hbm>>)
    %dma_wait3A_101 = arith.constant 1 : i32
    %dma_wait3A_102 = arith.constant 1 : i32
    %dma_wait3A_103 = arith.constant 0 : i32
    %dma_wait3A_104 = arith.constant 0 : i32
    %dma_wait3A_105 = tpu.memref_slice %arg7[%dma_wait3A_101, %dma_wait3A_103, %dma_wait3A_104] : memref<2x256x128xf32, #tpu.memory_space<vmem>> -> memref<1x256x128xf32, #tpu.memory_space<vmem>>
    %dma_wait3A_106 = tpu.memref_squeeze %dma_wait3A_105 : memref<1x256x128xf32, #tpu.memory_space<vmem>> -> memref<256x128xf32, #tpu.memory_space<vmem>>
    %dma_wait3A_107 = arith.constant 0 : i32
    %dma_wait3A_108 = arith.constant 0 : i32
    %dma_wait3A_109 = tpu.memref_slice %arg4[%dma_wait3A_107, %dma_wait3A_108] : memref<204800x128xf32, #tpu.memory_space<hbm>> -> memref<256x128xf32, #tpu.memory_space<hbm>>
    %dma_wait3A_110 = tpu.memref_slice %arg9[%dma_wait3A_102] : memref<2x!tpu.dma_semaphore, #tpu.memory_space<semaphore_mem>> -> memref<1x!tpu.dma_semaphore, #tpu.memory_space<semaphore_mem>>
    %dma_wait3A_111 = tpu.memref_squeeze %dma_wait3A_110 : memref<1x!tpu.dma_semaphore, #tpu.memory_space<semaphore_mem>> -> memref<!tpu.dma_semaphore, #tpu.memory_space<semaphore_mem>>
    %dma_wait3A_112 = arith.constant 0 : i32
    %dma_wait3A_113 = arith.constant 0 : i32
    %dma_wait3A_114 = tpu.memref_slice %arg4[%dma_wait3A_112, %dma_wait3A_113] : memref<204800x128xf32, #tpu.memory_space<hbm>> -> memref<256x128xf32, #tpu.memory_space<hbm>>
    %dma_wait3A_115 = arith.constant 0 : i32
    %dma_wait3A_116 = arith.constant 0 : i32
    %dma_wait3A_117 = tpu.memref_slice %arg7[%dma_wait3A_101, %dma_wait3A_115, %dma_wait3A_116] : memref<2x256x128xf32, #tpu.memory_space<vmem>> -> memref<1x256x128xf32, #tpu.memory_space<vmem>>
    %dma_wait3A_118 = tpu.memref_squeeze %dma_wait3A_117 : memref<1x256x128xf32, #tpu.memory_space<vmem>> -> memref<256x128xf32, #tpu.memory_space<vmem>>
    tpu.wait_dma2 semaphore(%dma_wait3A_111 : memref<!tpu.dma_semaphore, #tpu.memory_space<semaphore_mem>>) src(%dma_wait3A_118 : memref<256x128xf32, #tpu.memory_space<vmem>>) dst(%dma_wait3A_114 : memref<256x128xf32, #tpu.memory_space<hbm>>)
    return
  }
}

#map = affine_map<(d0, d1) -> (0, 0)>
#map1 = affine_map<(d0, d1) -> (0, 0, 0)>
module attributes {stable_mosaic.version = 14 : i64} {
  func.func @gather(%arg0: i32, %arg1: i32, %arg2: memref<4096x128xf32, #tpu.memory_space<hbm>>, %arg3: memref<32x50x128xi32, #tpu.memory_space<hbm>>, %arg4: memref<204800x128xf32, #tpu.memory_space<hbm>>, %arg5: memref<4096x128xf32, #tpu.memory_space<vmem_shared>>, %arg6: memref<50x128xi32, #tpu.memory_space<vmem>>, %arg7: memref<2x256x128xf32, #tpu.memory_space<vmem>>, %arg8: memref<2x!tpu.dma_semaphore, #tpu.memory_space<semaphore_mem>>, %arg9: memref<2x!tpu.dma_semaphore, #tpu.memory_space<semaphore_mem>>) attributes {dimension_semantics = [#tpu.dimension_semantics<core_parallel>, #tpu.dimension_semantics<subcore_parallel>], iteration_bounds = array<i64: 2, 16>, scalar_prefetch = 0 : i64, scratch_operands = 5 : i64, tpu.core_type = #tpu.core_type<sc_vector_subcore>, window_params = [{transform_indices = #map}, {transform_indices = #map1}, {transform_indices = #map}]} {
    %mul3A = arith.constant 2 : i32
    %mul3A_0 = arith.muli %arg1, %mul3A : i32
    %add3A = arith.addi %mul3A_0, %arg0 : i32
    %mul3A_1 = arith.constant 50 : i32
    %mul3A_2 = arith.muli %add3A, %mul3A_1 : i32
    %mul3A_3 = arith.constant 128 : i32
    %mul3A_4 = arith.muli %mul3A_2, %mul3A_3 : i32
    %eq3A = arith.constant 0 : i32
    %eq3A_5 = arith.cmpi eq, %arg1, %eq3A : i32
    %convert_element_type3A = arith.extui %eq3A_5 : i1 to i32
    %cond3A = arith.constant 0 : i32
    %cond3A_6 = arith.cmpi ne, %convert_element_type3A, %cond3A : i32
    scf.if %cond3A_6 {
      "tpu.region"() ({
        %run_scoped3A = tpu.sem_alloc : memref<!tpu.dma_semaphore, #tpu.memory_space<semaphore_mem>>
        tpu.enqueue_dma source(%arg2 : memref<4096x128xf32, #tpu.memory_space<hbm>>) target(%arg5 : memref<4096x128xf32, #tpu.memory_space<vmem_shared>>) target_semaphore(%run_scoped3A : memref<!tpu.dma_semaphore, #tpu.memory_space<semaphore_mem>>)
        tpu.wait_dma2 semaphore(%run_scoped3A : memref<!tpu.dma_semaphore, #tpu.memory_space<semaphore_mem>>) src(%arg2 : memref<4096x128xf32, #tpu.memory_space<hbm>>) dst(%arg5 : memref<4096x128xf32, #tpu.memory_space<vmem_shared>>)
        tpu.yield
      }) : () -> ()
    } else {
    }
    %barrier3A = arith.constant 0 : index
    tpu.barrier barrier_id(%barrier3A)
    "tpu.region"() ({
      %run_scoped3A = tpu.sem_alloc : memref<!tpu.dma_semaphore, #tpu.memory_space<semaphore_mem>>
      %dma_start3A_119 = arith.constant 0 : i32
      %dma_start3A_120 = arith.constant 0 : i32
      %dma_start3A_121 = tpu.memref_slice %arg3[%add3A, %dma_start3A_119, %dma_start3A_120] : memref<32x50x128xi32, #tpu.memory_space<hbm>> -> memref<1x50x128xi32, #tpu.memory_space<hbm>>
      %dma_start3A_122 = tpu.memref_squeeze %dma_start3A_121 : memref<1x50x128xi32, #tpu.memory_space<hbm>> -> memref<50x128xi32, #tpu.memory_space<hbm>>
      %dma_start3A_123 = arith.constant 0 : i32
      %dma_start3A_124 = arith.constant 0 : i32
      %dma_start3A_125 = tpu.memref_slice %arg3[%add3A, %dma_start3A_123, %dma_start3A_124] : memref<32x50x128xi32, #tpu.memory_space<hbm>> -> memref<1x50x128xi32, #tpu.memory_space<hbm>>
      %dma_start3A_126 = tpu.memref_squeeze %dma_start3A_125 : memref<1x50x128xi32, #tpu.memory_space<hbm>> -> memref<50x128xi32, #tpu.memory_space<hbm>>
      tpu.enqueue_dma source(%dma_start3A_126 : memref<50x128xi32, #tpu.memory_space<hbm>>) target(%arg6 : memref<50x128xi32, #tpu.memory_space<vmem>>) target_semaphore(%run_scoped3A : memref<!tpu.dma_semaphore, #tpu.memory_space<semaphore_mem>>)
      %dma_wait3A_127 = arith.constant 0 : i32
      %dma_wait3A_128 = arith.constant 0 : i32
      %dma_wait3A_129 = tpu.memref_slice %arg3[%add3A, %dma_wait3A_127, %dma_wait3A_128] : memref<32x50x128xi32, #tpu.memory_space<hbm>> -> memref<1x50x128xi32, #tpu.memory_space<hbm>>
      %dma_wait3A_130 = tpu.memref_squeeze %dma_wait3A_129 : memref<1x50x128xi32, #tpu.memory_space<hbm>> -> memref<50x128xi32, #tpu.memory_space<hbm>>
      %dma_wait3A_131 = arith.constant 0 : i32
      %dma_wait3A_132 = arith.constant 0 : i32
      %dma_wait3A_133 = tpu.memref_slice %arg3[%add3A, %dma_wait3A_131, %dma_wait3A_132] : memref<32x50x128xi32, #tpu.memory_space<hbm>> -> memref<1x50x128xi32, #tpu.memory_space<hbm>>
      %dma_wait3A_134 = tpu.memref_squeeze %dma_wait3A_133 : memref<1x50x128xi32, #tpu.memory_space<hbm>> -> memref<50x128xi32, #tpu.memory_space<hbm>>
      tpu.wait_dma2 semaphore(%run_scoped3A : memref<!tpu.dma_semaphore, #tpu.memory_space<semaphore_mem>>) src(%dma_wait3A_134 : memref<50x128xi32, #tpu.memory_space<hbm>>) dst(%arg6 : memref<50x128xi32, #tpu.memory_space<vmem>>)
      tpu.yield
    }) : () -> ()
    %dma_start3A = arith.constant 0 : i32
    %dma_start3A_7 = arith.constant 0 : i32
    %dma_start3A_8 = arith.constant 0 : i32
    %dma_start3A_9 = arith.constant 0 : i32
    %dma_start3A_10 = arith.constant 0 : i32
    %dma_start3A_11 = tpu.memref_slice %arg7[%dma_start3A_7, %dma_start3A_9, %dma_start3A_10] : memref<2x256x128xf32, #tpu.memory_space<vmem>> -> memref<1x256x128xf32, #tpu.memory_space<vmem>>
    %dma_start3A_12 = tpu.memref_squeeze %dma_start3A_11 : memref<1x256x128xf32, #tpu.memory_space<vmem>> -> memref<256x128xf32, #tpu.memory_space<vmem>>
    %dma_start3A_13 = arith.constant 0 : i32
    %dma_start3A_14 = arith.constant 0 : i32
    %dma_start3A_15 = tpu.memref_slice %dma_start3A_12[%dma_start3A_13, %dma_start3A_14] : memref<256x128xf32, #tpu.memory_space<vmem>> -> memref<128x128xf32, #tpu.memory_space<vmem>>
    %dma_start3A_16 = arith.constant 0 : i32
    %dma_start3A_17 = tpu.memref_slice %arg6[%dma_start3A, %dma_start3A_16] : memref<50x128xi32, #tpu.memory_space<vmem>> -> memref<1x128xi32, #tpu.memory_space<vmem>>
    %dma_start3A_18 = tpu.memref_squeeze %dma_start3A_17 : memref<1x128xi32, #tpu.memory_space<vmem>> -> memref<128xi32, #tpu.memory_space<vmem>>
    %dma_start3A_19 = arith.constant 0 : i32
    %dma_start3A_20 = arith.constant 0 : i32
    %dma_start3A_21 = tpu.memref_slice %arg5[%dma_start3A_19, %dma_start3A_20] : memref<4096x128xf32, #tpu.memory_space<vmem_shared>> -> memref<4096x128xf32, #tpu.memory_space<vmem_shared>>
    %dma_start3A_22 = tpu.memref_slice %arg8[%dma_start3A_8] : memref<2x!tpu.dma_semaphore, #tpu.memory_space<semaphore_mem>> -> memref<1x!tpu.dma_semaphore, #tpu.memory_space<semaphore_mem>>
    %dma_start3A_23 = tpu.memref_squeeze %dma_start3A_22 : memref<1x!tpu.dma_semaphore, #tpu.memory_space<semaphore_mem>> -> memref<!tpu.dma_semaphore, #tpu.memory_space<semaphore_mem>>
    tpu.enqueue_indirect_dma source(%dma_start3A_21 : memref<4096x128xf32, #tpu.memory_space<vmem_shared>>) target(%dma_start3A_15 : memref<128x128xf32, #tpu.memory_space<vmem>>) offsets(%dma_start3A_18 : memref<128xi32, #tpu.memory_space<vmem>>) semaphore(%dma_start3A_23 : memref<!tpu.dma_semaphore, #tpu.memory_space<semaphore_mem>>)
    %dma_start3A_24 = arith.constant 1 : i32
    %dma_start3A_25 = arith.constant 0 : i32
    %dma_start3A_26 = arith.constant 0 : i32
    %dma_start3A_27 = arith.constant 0 : i32
    %dma_start3A_28 = arith.constant 0 : i32
    %dma_start3A_29 = tpu.memref_slice %arg7[%dma_start3A_25, %dma_start3A_27, %dma_start3A_28] : memref<2x256x128xf32, #tpu.memory_space<vmem>> -> memref<1x256x128xf32, #tpu.memory_space<vmem>>
    %dma_start3A_30 = tpu.memref_squeeze %dma_start3A_29 : memref<1x256x128xf32, #tpu.memory_space<vmem>> -> memref<256x128xf32, #tpu.memory_space<vmem>>
    %dma_start3A_31 = arith.constant 128 : i32
    %dma_start3A_32 = arith.constant 0 : i32
    %dma_start3A_33 = tpu.memref_slice %dma_start3A_30[%dma_start3A_31, %dma_start3A_32] : memref<256x128xf32, #tpu.memory_space<vmem>> -> memref<128x128xf32, #tpu.memory_space<vmem>>
    %dma_start3A_34 = arith.constant 0 : i32
    %dma_start3A_35 = tpu.memref_slice %arg6[%dma_start3A_24, %dma_start3A_34] : memref<50x128xi32, #tpu.memory_space<vmem>> -> memref<1x128xi32, #tpu.memory_space<vmem>>
    %dma_start3A_36 = tpu.memref_squeeze %dma_start3A_35 : memref<1x128xi32, #tpu.memory_space<vmem>> -> memref<128xi32, #tpu.memory_space<vmem>>
    %dma_start3A_37 = arith.constant 0 : i32
    %dma_start3A_38 = arith.constant 0 : i32
    %dma_start3A_39 = tpu.memref_slice %arg5[%dma_start3A_37, %dma_start3A_38] : memref<4096x128xf32, #tpu.memory_space<vmem_shared>> -> memref<4096x128xf32, #tpu.memory_space<vmem_shared>>
    %dma_start3A_40 = tpu.memref_slice %arg8[%dma_start3A_26] : memref<2x!tpu.dma_semaphore, #tpu.memory_space<semaphore_mem>> -> memref<1x!tpu.dma_semaphore, #tpu.memory_space<semaphore_mem>>
    %dma_start3A_41 = tpu.memref_squeeze %dma_start3A_40 : memref<1x!tpu.dma_semaphore, #tpu.memory_space<semaphore_mem>> -> memref<!tpu.dma_semaphore, #tpu.memory_space<semaphore_mem>>
    tpu.enqueue_indirect_dma source(%dma_start3A_39 : memref<4096x128xf32, #tpu.memory_space<vmem_shared>>) target(%dma_start3A_33 : memref<128x128xf32, #tpu.memory_space<vmem>>) offsets(%dma_start3A_36 : memref<128xi32, #tpu.memory_space<vmem>>) semaphore(%dma_start3A_41 : memref<!tpu.dma_semaphore, #tpu.memory_space<semaphore_mem>>)
    %dma_start3A_42 = arith.constant 2 : i32
    %dma_start3A_43 = arith.constant 1 : i32
    %dma_start3A_44 = arith.constant 1 : i32
    %dma_start3A_45 = arith.constant 0 : i32
    %dma_start3A_46 = arith.constant 0 : i32
    %dma_start3A_47 = tpu.memref_slice %arg7[%dma_start3A_43, %dma_start3A_45, %dma_start3A_46] : memref<2x256x128xf32, #tpu.memory_space<vmem>> -> memref<1x256x128xf32, #tpu.memory_space<vmem>>
    %dma_start3A_48 = tpu.memref_squeeze %dma_start3A_47 : memref<1x256x128xf32, #tpu.memory_space<vmem>> -> memref<256x128xf32, #tpu.memory_space<vmem>>
    %dma_start3A_49 = arith.constant 0 : i32
    %dma_start3A_50 = arith.constant 0 : i32
    %dma_start3A_51 = tpu.memref_slice %dma_start3A_48[%dma_start3A_49, %dma_start3A_50] : memref<256x128xf32, #tpu.memory_space<vmem>> -> memref<128x128xf32, #tpu.memory_space<vmem>>
    %dma_start3A_52 = arith.constant 0 : i32
    %dma_start3A_53 = tpu.memref_slice %arg6[%dma_start3A_42, %dma_start3A_52] : memref<50x128xi32, #tpu.memory_space<vmem>> -> memref<1x128xi32, #tpu.memory_space<vmem>>
    %dma_start3A_54 = tpu.memref_squeeze %dma_start3A_53 : memref<1x128xi32, #tpu.memory_space<vmem>> -> memref<128xi32, #tpu.memory_space<vmem>>
    %dma_start3A_55 = arith.constant 0 : i32
    %dma_start3A_56 = arith.constant 0 : i32
    %dma_start3A_57 = tpu.memref_slice %arg5[%dma_start3A_55, %dma_start3A_56] : memref<4096x128xf32, #tpu.memory_space<vmem_shared>> -> memref<4096x128xf32, #tpu.memory_space<vmem_shared>>
    %dma_start3A_58 = tpu.memref_slice %arg8[%dma_start3A_44] : memref<2x!tpu.dma_semaphore, #tpu.memory_space<semaphore_mem>> -> memref<1x!tpu.dma_semaphore, #tpu.memory_space<semaphore_mem>>
    %dma_start3A_59 = tpu.memref_squeeze %dma_start3A_58 : memref<1x!tpu.dma_semaphore, #tpu.memory_space<semaphore_mem>> -> memref<!tpu.dma_semaphore, #tpu.memory_space<semaphore_mem>>
    tpu.enqueue_indirect_dma source(%dma_start3A_57 : memref<4096x128xf32, #tpu.memory_space<vmem_shared>>) target(%dma_start3A_51 : memref<128x128xf32, #tpu.memory_space<vmem>>) offsets(%dma_start3A_54 : memref<128xi32, #tpu.memory_space<vmem>>) semaphore(%dma_start3A_59 : memref<!tpu.dma_semaphore, #tpu.memory_space<semaphore_mem>>)
    %dma_start3A_60 = arith.constant 3 : i32
    %dma_start3A_61 = arith.constant 1 : i32
    %dma_start3A_62 = arith.constant 1 : i32
    %dma_start3A_63 = arith.constant 0 : i32
    %dma_start3A_64 = arith.constant 0 : i32
    %dma_start3A_65 = tpu.memref_slice %arg7[%dma_start3A_61, %dma_start3A_63, %dma_start3A_64] : memref<2x256x128xf32, #tpu.memory_space<vmem>> -> memref<1x256x128xf32, #tpu.memory_space<vmem>>
    %dma_start3A_66 = tpu.memref_squeeze %dma_start3A_65 : memref<1x256x128xf32, #tpu.memory_space<vmem>> -> memref<256x128xf32, #tpu.memory_space<vmem>>
    %dma_start3A_67 = arith.constant 128 : i32
    %dma_start3A_68 = arith.constant 0 : i32
    %dma_start3A_69 = tpu.memref_slice %dma_start3A_66[%dma_start3A_67, %dma_start3A_68] : memref<256x128xf32, #tpu.memory_space<vmem>> -> memref<128x128xf32, #tpu.memory_space<vmem>>
    %dma_start3A_70 = arith.constant 0 : i32
    %dma_start3A_71 = tpu.memref_slice %arg6[%dma_start3A_60, %dma_start3A_70] : memref<50x128xi32, #tpu.memory_space<vmem>> -> memref<1x128xi32, #tpu.memory_space<vmem>>
    %dma_start3A_72 = tpu.memref_squeeze %dma_start3A_71 : memref<1x128xi32, #tpu.memory_space<vmem>> -> memref<128xi32, #tpu.memory_space<vmem>>
    %dma_start3A_73 = arith.constant 0 : i32
    %dma_start3A_74 = arith.constant 0 : i32
    %dma_start3A_75 = tpu.memref_slice %arg5[%dma_start3A_73, %dma_start3A_74] : memref<4096x128xf32, #tpu.memory_space<vmem_shared>> -> memref<4096x128xf32, #tpu.memory_space<vmem_shared>>
    %dma_start3A_76 = tpu.memref_slice %arg8[%dma_start3A_62] : memref<2x!tpu.dma_semaphore, #tpu.memory_space<semaphore_mem>> -> memref<1x!tpu.dma_semaphore, #tpu.memory_space<semaphore_mem>>
    %dma_start3A_77 = tpu.memref_squeeze %dma_start3A_76 : memref<1x!tpu.dma_semaphore, #tpu.memory_space<semaphore_mem>> -> memref<!tpu.dma_semaphore, #tpu.memory_space<semaphore_mem>>
    tpu.enqueue_indirect_dma source(%dma_start3A_75 : memref<4096x128xf32, #tpu.memory_space<vmem_shared>>) target(%dma_start3A_69 : memref<128x128xf32, #tpu.memory_space<vmem>>) offsets(%dma_start3A_72 : memref<128xi32, #tpu.memory_space<vmem>>) semaphore(%dma_start3A_77 : memref<!tpu.dma_semaphore, #tpu.memory_space<semaphore_mem>>)
    %scan3A = arith.constant 0 : i32
    %scan3A_78 = arith.constant 0 : i32
    %scan3A_79 = arith.constant 25 : i32
    %scan3A_80 = arith.addi %scan3A_78, %scan3A_79 : i32
    %scan3A_81 = arith.constant 1 : i32
    %scan3A_82 = scf.for %scan3A_119 = %scan3A_78 to %scan3A_80 step %scan3A_81 iter_args(%scan3A_120 = %scan3A) -> (i32)  : i32 {
      %rem3A = arith.constant 2 : i32
      %rem3A_121 = arith.remsi %scan3A_119, %rem3A : i32
      %dma_wait3A_122 = arith.constant 0 : i32
      %dma_wait3A_123 = arith.constant 0 : i32
      %dma_wait3A_124 = tpu.memref_slice %arg7[%rem3A_121, %dma_wait3A_122, %dma_wait3A_123] : memref<2x256x128xf32, #tpu.memory_space<vmem>> -> memref<1x256x128xf32, #tpu.memory_space<vmem>>
      %dma_wait3A_125 = tpu.memref_squeeze %dma_wait3A_124 : memref<1x256x128xf32, #tpu.memory_space<vmem>> -> memref<256x128xf32, #tpu.memory_space<vmem>>
      %dma_wait3A_126 = arith.constant 0 : i32
      %dma_wait3A_127 = arith.constant 0 : i32
      %dma_wait3A_128 = tpu.memref_slice %arg4[%dma_wait3A_126, %dma_wait3A_127] : memref<204800x128xf32, #tpu.memory_space<hbm>> -> memref<256x128xf32, #tpu.memory_space<hbm>>
      %dma_wait3A_129 = tpu.memref_slice %arg8[%rem3A_121] : memref<2x!tpu.dma_semaphore, #tpu.memory_space<semaphore_mem>> -> memref<1x!tpu.dma_semaphore, #tpu.memory_space<semaphore_mem>>
      %dma_wait3A_130 = tpu.memref_squeeze %dma_wait3A_129 : memref<1x!tpu.dma_semaphore, #tpu.memory_space<semaphore_mem>> -> memref<!tpu.dma_semaphore, #tpu.memory_space<semaphore_mem>>
      %dma_wait3A_131 = arith.constant 0 : i32
      %dma_wait3A_132 = arith.constant 0 : i32
      %dma_wait3A_133 = tpu.memref_slice %arg7[%rem3A_121, %dma_wait3A_131, %dma_wait3A_132] : memref<2x256x128xf32, #tpu.memory_space<vmem>> -> memref<1x256x128xf32, #tpu.memory_space<vmem>>
      %dma_wait3A_134 = tpu.memref_squeeze %dma_wait3A_133 : memref<1x256x128xf32, #tpu.memory_space<vmem>> -> memref<256x128xf32, #tpu.memory_space<vmem>>
      %dma_wait3A_135 = arith.constant 0 : i32
      %dma_wait3A_136 = arith.constant 0 : i32
      %dma_wait3A_137 = tpu.memref_slice %arg4[%dma_wait3A_135, %dma_wait3A_136] : memref<204800x128xf32, #tpu.memory_space<hbm>> -> memref<256x128xf32, #tpu.memory_space<hbm>>
      tpu.wait_dma2 semaphore(%dma_wait3A_130 : memref<!tpu.dma_semaphore, #tpu.memory_space<semaphore_mem>>) src(%dma_wait3A_137 : memref<256x128xf32, #tpu.memory_space<hbm>>) dst(%dma_wait3A_134 : memref<256x128xf32, #tpu.memory_space<vmem>>)
      %mul3A_138 = arith.constant 256 : i32
      %mul3A_139 = arith.muli %scan3A_119, %mul3A_138 : i32
      %add3A_140 = arith.addi %mul3A_4, %mul3A_139 : i32
      %dma_start3A_141 = arith.constant 0 : i32
      %dma_start3A_142 = arith.constant 0 : i32
      %dma_start3A_143 = tpu.memref_slice %arg7[%rem3A_121, %dma_start3A_141, %dma_start3A_142] : memref<2x256x128xf32, #tpu.memory_space<vmem>> -> memref<1x256x128xf32, #tpu.memory_space<vmem>>
      %dma_start3A_144 = tpu.memref_squeeze %dma_start3A_143 : memref<1x256x128xf32, #tpu.memory_space<vmem>> -> memref<256x128xf32, #tpu.memory_space<vmem>>
      %dma_start3A_145 = arith.constant 0 : i32
      %dma_start3A_146 = tpu.memref_slice %arg4[%add3A_140, %dma_start3A_145] : memref<204800x128xf32, #tpu.memory_space<hbm>> -> memref<256x128xf32, #tpu.memory_space<hbm>>
      %dma_start3A_147 = tpu.memref_slice %arg9[%rem3A_121] : memref<2x!tpu.dma_semaphore, #tpu.memory_space<semaphore_mem>> -> memref<1x!tpu.dma_semaphore, #tpu.memory_space<semaphore_mem>>
      %dma_start3A_148 = tpu.memref_squeeze %dma_start3A_147 : memref<1x!tpu.dma_semaphore, #tpu.memory_space<semaphore_mem>> -> memref<!tpu.dma_semaphore, #tpu.memory_space<semaphore_mem>>
      %dma_start3A_149 = arith.constant 0 : i32
      %dma_start3A_150 = tpu.memref_slice %arg4[%add3A_140, %dma_start3A_149] : memref<204800x128xf32, #tpu.memory_space<hbm>> -> memref<256x128xf32, #tpu.memory_space<hbm>>
      %dma_start3A_151 = arith.constant 0 : i32
      %dma_start3A_152 = arith.constant 0 : i32
      %dma_start3A_153 = tpu.memref_slice %arg7[%rem3A_121, %dma_start3A_151, %dma_start3A_152] : memref<2x256x128xf32, #tpu.memory_space<vmem>> -> memref<1x256x128xf32, #tpu.memory_space<vmem>>
      %dma_start3A_154 = tpu.memref_squeeze %dma_start3A_153 : memref<1x256x128xf32, #tpu.memory_space<vmem>> -> memref<256x128xf32, #tpu.memory_space<vmem>>
      tpu.enqueue_dma source(%dma_start3A_154 : memref<256x128xf32, #tpu.memory_space<vmem>>) target(%dma_start3A_150 : memref<256x128xf32, #tpu.memory_space<hbm>>) target_semaphore(%dma_start3A_148 : memref<!tpu.dma_semaphore, #tpu.memory_space<semaphore_mem>>)
      %add3A_155 = arith.constant 2 : i32
      %add3A_156 = arith.addi %scan3A_119, %add3A_155 : i32
      %lt3A = arith.constant 25 : i32
      %lt3A_157 = arith.cmpi slt, %add3A_156, %lt3A : i32
      %convert_element_type3A_158 = arith.extui %lt3A_157 : i1 to i32
      %cond3A_159 = arith.constant 0 : i32
      %cond3A_160 = arith.cmpi ne, %convert_element_type3A_158, %cond3A_159 : i32
      scf.if %cond3A_160 {
        %dma_wait3A_162 = arith.constant 0 : i32
        %dma_wait3A_163 = arith.constant 0 : i32
        %dma_wait3A_164 = tpu.memref_slice %arg7[%rem3A_121, %dma_wait3A_162, %dma_wait3A_163] : memref<2x256x128xf32, #tpu.memory_space<vmem>> -> memref<1x256x128xf32, #tpu.memory_space<vmem>>
        %dma_wait3A_165 = tpu.memref_squeeze %dma_wait3A_164 : memref<1x256x128xf32, #tpu.memory_space<vmem>> -> memref<256x128xf32, #tpu.memory_space<vmem>>
        %dma_wait3A_166 = arith.constant 0 : i32
        %dma_wait3A_167 = arith.constant 0 : i32
        %dma_wait3A_168 = tpu.memref_slice %arg4[%dma_wait3A_166, %dma_wait3A_167] : memref<204800x128xf32, #tpu.memory_space<hbm>> -> memref<256x128xf32, #tpu.memory_space<hbm>>
        %dma_wait3A_169 = tpu.memref_slice %arg9[%rem3A_121] : memref<2x!tpu.dma_semaphore, #tpu.memory_space<semaphore_mem>> -> memref<1x!tpu.dma_semaphore, #tpu.memory_space<semaphore_mem>>
        %dma_wait3A_170 = tpu.memref_squeeze %dma_wait3A_169 : memref<1x!tpu.dma_semaphore, #tpu.memory_space<semaphore_mem>> -> memref<!tpu.dma_semaphore, #tpu.memory_space<semaphore_mem>>
        %dma_wait3A_171 = arith.constant 0 : i32
        %dma_wait3A_172 = arith.constant 0 : i32
        %dma_wait3A_173 = tpu.memref_slice %arg4[%dma_wait3A_171, %dma_wait3A_172] : memref<204800x128xf32, #tpu.memory_space<hbm>> -> memref<256x128xf32, #tpu.memory_space<hbm>>
        %dma_wait3A_174 = arith.constant 0 : i32
        %dma_wait3A_175 = arith.constant 0 : i32
        %dma_wait3A_176 = tpu.memref_slice %arg7[%rem3A_121, %dma_wait3A_174, %dma_wait3A_175] : memref<2x256x128xf32, #tpu.memory_space<vmem>> -> memref<1x256x128xf32, #tpu.memory_space<vmem>>
        %dma_wait3A_177 = tpu.memref_squeeze %dma_wait3A_176 : memref<1x256x128xf32, #tpu.memory_space<vmem>> -> memref<256x128xf32, #tpu.memory_space<vmem>>
        tpu.wait_dma2 semaphore(%dma_wait3A_170 : memref<!tpu.dma_semaphore, #tpu.memory_space<semaphore_mem>>) src(%dma_wait3A_177 : memref<256x128xf32, #tpu.memory_space<vmem>>) dst(%dma_wait3A_173 : memref<256x128xf32, #tpu.memory_space<hbm>>)
        %add3A_178 = arith.constant 2 : i32
        %add3A_179 = arith.addi %scan3A_119, %add3A_178 : i32
        %mul3A_180 = arith.constant 2 : i32
        %mul3A_181 = arith.muli %add3A_179, %mul3A_180 : i32
        %add3A_182 = arith.constant 0 : i32
        %add3A_183 = arith.addi %mul3A_181, %add3A_182 : i32
        %dma_start3A_184 = arith.constant 0 : i32
        %dma_start3A_185 = arith.constant 0 : i32
        %dma_start3A_186 = tpu.memref_slice %arg7[%rem3A_121, %dma_start3A_184, %dma_start3A_185] : memref<2x256x128xf32, #tpu.memory_space<vmem>> -> memref<1x256x128xf32, #tpu.memory_space<vmem>>
        %dma_start3A_187 = tpu.memref_squeeze %dma_start3A_186 : memref<1x256x128xf32, #tpu.memory_space<vmem>> -> memref<256x128xf32, #tpu.memory_space<vmem>>
        %dma_start3A_188 = arith.constant 0 : i32
        %dma_start3A_189 = arith.constant 0 : i32
        %dma_start3A_190 = tpu.memref_slice %dma_start3A_187[%dma_start3A_188, %dma_start3A_189] : memref<256x128xf32, #tpu.memory_space<vmem>> -> memref<128x128xf32, #tpu.memory_space<vmem>>
        %dma_start3A_191 = arith.constant 0 : i32
        %dma_start3A_192 = tpu.memref_slice %arg6[%add3A_183, %dma_start3A_191] : memref<50x128xi32, #tpu.memory_space<vmem>> -> memref<1x128xi32, #tpu.memory_space<vmem>>
        %dma_start3A_193 = tpu.memref_squeeze %dma_start3A_192 : memref<1x128xi32, #tpu.memory_space<vmem>> -> memref<128xi32, #tpu.memory_space<vmem>>
        %dma_start3A_194 = arith.constant 0 : i32
        %dma_start3A_195 = arith.constant 0 : i32
        %dma_start3A_196 = tpu.memref_slice %arg5[%dma_start3A_194, %dma_start3A_195] : memref<4096x128xf32, #tpu.memory_space<vmem_shared>> -> memref<4096x128xf32, #tpu.memory_space<vmem_shared>>
        %dma_start3A_197 = tpu.memref_slice %arg8[%rem3A_121] : memref<2x!tpu.dma_semaphore, #tpu.memory_space<semaphore_mem>> -> memref<1x!tpu.dma_semaphore, #tpu.memory_space<semaphore_mem>>
        %dma_start3A_198 = tpu.memref_squeeze %dma_start3A_197 : memref<1x!tpu.dma_semaphore, #tpu.memory_space<semaphore_mem>> -> memref<!tpu.dma_semaphore, #tpu.memory_space<semaphore_mem>>
        tpu.enqueue_indirect_dma source(%dma_start3A_196 : memref<4096x128xf32, #tpu.memory_space<vmem_shared>>) target(%dma_start3A_190 : memref<128x128xf32, #tpu.memory_space<vmem>>) offsets(%dma_start3A_193 : memref<128xi32, #tpu.memory_space<vmem>>) semaphore(%dma_start3A_198 : memref<!tpu.dma_semaphore, #tpu.memory_space<semaphore_mem>>)
        %mul3A_199 = arith.constant 2 : i32
        %mul3A_200 = arith.muli %add3A_179, %mul3A_199 : i32
        %add3A_201 = arith.constant 1 : i32
        %add3A_202 = arith.addi %mul3A_200, %add3A_201 : i32
        %dma_start3A_203 = arith.constant 0 : i32
        %dma_start3A_204 = arith.constant 0 : i32
        %dma_start3A_205 = tpu.memref_slice %arg7[%rem3A_121, %dma_start3A_203, %dma_start3A_204] : memref<2x256x128xf32, #tpu.memory_space<vmem>> -> memref<1x256x128xf32, #tpu.memory_space<vmem>>
        %dma_start3A_206 = tpu.memref_squeeze %dma_start3A_205 : memref<1x256x128xf32, #tpu.memory_space<vmem>> -> memref<256x128xf32, #tpu.memory_space<vmem>>
        %dma_start3A_207 = arith.constant 128 : i32
        %dma_start3A_208 = arith.constant 0 : i32
        %dma_start3A_209 = tpu.memref_slice %dma_start3A_206[%dma_start3A_207, %dma_start3A_208] : memref<256x128xf32, #tpu.memory_space<vmem>> -> memref<128x128xf32, #tpu.memory_space<vmem>>
        %dma_start3A_210 = arith.constant 0 : i32
        %dma_start3A_211 = tpu.memref_slice %arg6[%add3A_202, %dma_start3A_210] : memref<50x128xi32, #tpu.memory_space<vmem>> -> memref<1x128xi32, #tpu.memory_space<vmem>>
        %dma_start3A_212 = tpu.memref_squeeze %dma_start3A_211 : memref<1x128xi32, #tpu.memory_space<vmem>> -> memref<128xi32, #tpu.memory_space<vmem>>
        %dma_start3A_213 = arith.constant 0 : i32
        %dma_start3A_214 = arith.constant 0 : i32
        %dma_start3A_215 = tpu.memref_slice %arg5[%dma_start3A_213, %dma_start3A_214] : memref<4096x128xf32, #tpu.memory_space<vmem_shared>> -> memref<4096x128xf32, #tpu.memory_space<vmem_shared>>
        %dma_start3A_216 = tpu.memref_slice %arg8[%rem3A_121] : memref<2x!tpu.dma_semaphore, #tpu.memory_space<semaphore_mem>> -> memref<1x!tpu.dma_semaphore, #tpu.memory_space<semaphore_mem>>
        %dma_start3A_217 = tpu.memref_squeeze %dma_start3A_216 : memref<1x!tpu.dma_semaphore, #tpu.memory_space<semaphore_mem>> -> memref<!tpu.dma_semaphore, #tpu.memory_space<semaphore_mem>>
        tpu.enqueue_indirect_dma source(%dma_start3A_215 : memref<4096x128xf32, #tpu.memory_space<vmem_shared>>) target(%dma_start3A_209 : memref<128x128xf32, #tpu.memory_space<vmem>>) offsets(%dma_start3A_212 : memref<128xi32, #tpu.memory_space<vmem>>) semaphore(%dma_start3A_217 : memref<!tpu.dma_semaphore, #tpu.memory_space<semaphore_mem>>)
      } else {
      }
      %scan3A_161 = arith.constant 0 : i32
      scf.yield %scan3A_161 : i32
    }
    %scan3A_83 = arith.constant 25 : i32
    %dma_wait3A = arith.constant 0 : i32
    %dma_wait3A_84 = arith.constant 0 : i32
    %dma_wait3A_85 = arith.constant 0 : i32
    %dma_wait3A_86 = arith.constant 0 : i32
    %dma_wait3A_87 = tpu.memref_slice %arg7[%dma_wait3A, %dma_wait3A_85, %dma_wait3A_86] : memref<2x256x128xf32, #tpu.memory_space<vmem>> -> memref<1x256x128xf32, #tpu.memory_space<vmem>>
    %dma_wait3A_88 = tpu.memref_squeeze %dma_wait3A_87 : memref<1x256x128xf32, #tpu.memory_space<vmem>> -> memref<256x128xf32, #tpu.memory_space<vmem>>
    %dma_wait3A_89 = arith.constant 0 : i32
    %dma_wait3A_90 = arith.constant 0 : i32
    %dma_wait3A_91 = tpu.memref_slice %arg4[%dma_wait3A_89, %dma_wait3A_90] : memref<204800x128xf32, #tpu.memory_space<hbm>> -> memref<256x128xf32, #tpu.memory_space<hbm>>
    %dma_wait3A_92 = tpu.memref_slice %arg9[%dma_wait3A_84] : memref<2x!tpu.dma_semaphore, #tpu.memory_space<semaphore_mem>> -> memref<1x!tpu.dma_semaphore, #tpu.memory_space<semaphore_mem>>
    %dma_wait3A_93 = tpu.memref_squeeze %dma_wait3A_92 : memref<1x!tpu.dma_semaphore, #tpu.memory_space<semaphore_mem>> -> memref<!tpu.dma_semaphore, #tpu.memory_space<semaphore_mem>>
    %dma_wait3A_94 = arith.constant 0 : i32
    %dma_wait3A_95 = arith.constant 0 : i32
    %dma_wait3A_96 = tpu.memref_slice %arg4[%dma_wait3A_94, %dma_wait3A_95] : memref<204800x128xf32, #tpu.memory_space<hbm>> -> memref<256x128xf32, #tpu.memory_space<hbm>>
    %dma_wait3A_97 = arith.constant 0 : i32
    %dma_wait3A_98 = arith.constant 0 : i32
    %dma_wait3A_99 = tpu.memref_slice %arg7[%dma_wait3A, %dma_wait3A_97, %dma_wait3A_98] : memref<2x256x128xf32, #tpu.memory_space<vmem>> -> memref<1x256x128xf32, #tpu.memory_space<vmem>>
    %dma_wait3A_100 = tpu.memref_squeeze %dma_wait3A_99 : memref<1x256x128xf32, #tpu.memory_space<vmem>> -> memref<256x128xf32, #tpu.memory_space<vmem>>
    tpu.wait_dma2 semaphore(%dma_wait3A_93 : memref<!tpu.dma_semaphore, #tpu.memory_space<semaphore_mem>>) src(%dma_wait3A_100 : memref<256x128xf32, #tpu.memory_space<vmem>>) dst(%dma_wait3A_96 : memref<256x128xf32, #tpu.memory_space<hbm>>)
    %dma_wait3A_101 = arith.constant 1 : i32
    %dma_wait3A_102 = arith.constant 1 : i32
    %dma_wait3A_103 = arith.constant 0 : i32
    %dma_wait3A_104 = arith.constant 0 : i32
    %dma_wait3A_105 = tpu.memref_slice %arg7[%dma_wait3A_101, %dma_wait3A_103, %dma_wait3A_104] : memref<2x256x128xf32, #tpu.memory_space<vmem>> -> memref<1x256x128xf32, #tpu.memory_space<vmem>>
    %dma_wait3A_106 = tpu.memref_squeeze %dma_wait3A_105 : memref<1x256x128xf32, #tpu.memory_space<vmem>> -> memref<256x128xf32, #tpu.memory_space<vmem>>
    %dma_wait3A_107 = arith.constant 0 : i32
    %dma_wait3A_108 = arith.constant 0 : i32
    %dma_wait3A_109 = tpu.memref_slice %arg4[%dma_wait3A_107, %dma_wait3A_108] : memref<204800x128xf32, #tpu.memory_space<hbm>> -> memref<256x128xf32, #tpu.memory_space<hbm>>
    %dma_wait3A_110 = tpu.memref_slice %arg9[%dma_wait3A_102] : memref<2x!tpu.dma_semaphore, #tpu.memory_space<semaphore_mem>> -> memref<1x!tpu.dma_semaphore, #tpu.memory_space<semaphore_mem>>
    %dma_wait3A_111 = tpu.memref_squeeze %dma_wait3A_110 : memref<1x!tpu.dma_semaphore, #tpu.memory_space<semaphore_mem>> -> memref<!tpu.dma_semaphore, #tpu.memory_space<semaphore_mem>>
    %dma_wait3A_112 = arith.constant 0 : i32
    %dma_wait3A_113 = arith.constant 0 : i32
    %dma_wait3A_114 = tpu.memref_slice %arg4[%dma_wait3A_112, %dma_wait3A_113] : memref<204800x128xf32, #tpu.memory_space<hbm>> -> memref<256x128xf32, #tpu.memory_space<hbm>>
    %dma_wait3A_115 = arith.constant 0 : i32
    %dma_wait3A_116 = arith.constant 0 : i32
    %dma_wait3A_117 = tpu.memref_slice %arg7[%dma_wait3A_101, %dma_wait3A_115, %dma_wait3A_116] : memref<2x256x128xf32, #tpu.memory_space<vmem>> -> memref<1x256x128xf32, #tpu.memory_space<vmem>>
    %dma_wait3A_118 = tpu.memref_squeeze %dma_wait3A_117 : memref<1x256x128xf32, #tpu.memory_space<vmem>> -> memref<256x128xf32, #tpu.memory_space<vmem>>
    tpu.wait_dma2 semaphore(%dma_wait3A_111 : memref<!tpu.dma_semaphore, #tpu.memory_space<semaphore_mem>>) src(%dma_wait3A_118 : memref<256x128xf32, #tpu.memory_space<vmem>>) dst(%dma_wait3A_114 : memref<256x128xf32, #tpu.memory_space<hbm>>)
    return
  }
}

module attributes {stable_mosaic.version = 14 : i64} {
  func.func @_pair_table_body(%arg0: i32, %arg1: memref<64x64xf32, #tpu.memory_space<vmem>>, %arg2: memref<64x128xf32, #tpu.memory_space<vmem>>) attributes {dimension_semantics = [#tpu.dimension_semantics<arbitrary>], iteration_bounds = array<i64: 64>, scalar_prefetch = 0 : i64, scratch_operands = 0 : i64, tpu.core_type = #tpu.core_type<tc>, window_params = [{pipeline_mode = #tpu.pipeline_mode<synchronous>, transform_indices = @transform_0, window_bounds = array<i64: 64, 64>}, {transform_indices = @transform_1, window_bounds = array<i64: 64, 128>}]} {
    %get3A = arith.index_cast %arg0 : i32 to index
    %get3A_0 = arith.constant 0 : index
    %get3A_1 = vector.load %arg1[%get3A, %get3A_0] : memref<64x64xf32, #tpu.memory_space<vmem>>, vector<1x64xf32>
    %broadcast_in_dim3A = vector.shape_cast %get3A_1 : vector<1x64xf32> to vector<1x64xf32>
    %broadcast_in_dim3A_2 = vector.broadcast %broadcast_in_dim3A : vector<1x64xf32> to vector<64x64xf32>
    %get3A_3 = arith.constant 0 : index
    %get3A_4 = arith.constant 0 : index
    %get3A_5 = vector.load %arg1[%get3A_3, %get3A_4] : memref<64x64xf32, #tpu.memory_space<vmem>>, vector<64x64xf32>
    %concatenate3A = tpu.concatenate %broadcast_in_dim3A_2, %get3A_5 in 1 : vector<64x64xf32>, vector<64x64xf32> -> vector<64x128xf32>
    %swap3A = arith.constant 0 : index
    %swap3A_6 = arith.constant 0 : index
    %swap3A_7 = vector.load %arg2[%swap3A, %swap3A_6] : memref<64x128xf32, #tpu.memory_space<vmem>>, vector<64x128xf32>
    tpu.vector_store %arg2[%swap3A, %swap3A_6], %concatenate3A {strides = array<i32>} : memref<64x128xf32, #tpu.memory_space<vmem>>, vector<64x128xf32>,
    return
  }
  func.func @transform_0(%arg0: i32) -> (i32, i32) {
    %c0_i32 = arith.constant 0 : i32
    %c0_i32_0 = arith.constant 0 : i32
    %c0_i32_1 = arith.constant 0 : i32
    return %c0_i32, %c0_i32_0 : i32, i32
  }
  func.func @transform_1(%arg0: i32) -> (i32, i32) {
    %c0_i32 = arith.constant 0 : i32
    %c0_i32_0 = arith.constant 0 : i32
    return %arg0, %c0_i32 : i32, i32
  }
}

module attributes {stable_mosaic.version = 14 : i64} {
  func.func @_table_body(%arg0: memref<64x16xf32, #tpu.memory_space<vmem>>, %arg1: memref<64x16xf32, #tpu.memory_space<vmem>>, %arg2: memref<1x64xf32, #tpu.memory_space<vmem>>, %arg3: memref<64x64xf32, #tpu.memory_space<vmem>>) attributes {dimension_semantics = [], scalar_prefetch = 0 : i64, scratch_operands = 0 : i64, tpu.core_type = #tpu.core_type<tc>} {
    %get3A = arith.constant 0 : index
    %get3A_0 = arith.constant 0 : index
    %get3A_1 = vector.load %arg0[%get3A, %get3A_0] : memref<64x16xf32, #tpu.memory_space<vmem>>, vector<64x16xf32>
    %get3A_2 = arith.constant 0 : index
    %get3A_3 = arith.constant 0 : index
    %get3A_4 = vector.load %arg1[%get3A_2, %get3A_3] : memref<64x16xf32, #tpu.memory_space<vmem>>, vector<64x16xf32>
    %dot_general3A = arith.constant dense<0.000000e+00> : vector<64x64xf32>
    %dot_general3A_5 = tpu.matmul %get3A_1, %get3A_4, %dot_general3A {dimension_numbers = #tpu.dot_dimension_numbers<[1], [1], [0], [0], [0, 0, 1, 0], [], []>, transpose_lhs_hint = false} : vector<64x16xf32>, vector<64x16xf32>, vector<64x64xf32> -> vector<64x64xf32>
    %get3A_6 = arith.constant 0 : index
    %get3A_7 = arith.constant 0 : index
    %get3A_8 = vector.load %arg2[%get3A_6, %get3A_7] : memref<1x64xf32, #tpu.memory_space<vmem>>, vector<1x64xf32>
    %add3A = vector.broadcast %get3A_8 : vector<1x64xf32> to vector<64x64xf32>
    %add3A_9 = arith.addf %dot_general3A_5, %add3A : vector<64x64xf32>
    %swap3A = arith.constant 0 : index
    %swap3A_10 = arith.constant 0 : index
    %swap3A_11 = vector.load %arg3[%swap3A, %swap3A_10] : memref<64x64xf32, #tpu.memory_space<vmem>>, vector<64x64xf32>
    tpu.vector_store %arg3[%swap3A, %swap3A_10], %add3A_9 {strides = array<i32>} : memref<64x64xf32, #tpu.memory_space<vmem>>, vector<64x64xf32>,
    return
  }
}

module attributes {stable_mosaic.version = 14 : i64} {
  func.func @_pair_idx_body(%arg0: memref<3200x128xi32, #tpu.memory_space<vmem>>, %arg1: memref<3200x128xi32, #tpu.memory_space<vmem>>, %arg2: memref<3200x128xi32, #tpu.memory_space<vmem>>) attributes {dimension_semantics = [], scalar_prefetch = 0 : i64, scratch_operands = 0 : i64, tpu.core_type = #tpu.core_type<tc>} {
    %get3A = arith.constant 0 : index
    %get3A_0 = arith.constant 0 : index
    %get3A_1 = vector.load %arg0[%get3A, %get3A_0] : memref<3200x128xi32, #tpu.memory_space<vmem>>, vector<3200x128xi32>
    %mul3A = arith.constant 64 : i32
    %mul3A_2 = vector.broadcast %mul3A : i32 to vector<3200x128xi32>
    %mul3A_3 = arith.muli %get3A_1, %mul3A_2 : vector<3200x128xi32>
    %get3A_4 = arith.constant 0 : index
    %get3A_5 = arith.constant 0 : index
    %get3A_6 = vector.load %arg1[%get3A_4, %get3A_5] : memref<3200x128xi32, #tpu.memory_space<vmem>>, vector<3200x128xi32>
    %add3A = arith.addi %mul3A_3, %get3A_6 : vector<3200x128xi32>
    %swap3A = arith.constant 0 : index
    %swap3A_7 = arith.constant 0 : index
    %swap3A_8 = vector.load %arg2[%swap3A, %swap3A_7] : memref<3200x128xi32, #tpu.memory_space<vmem>>, vector<3200x128xi32>
    tpu.vector_store %arg2[%swap3A, %swap3A_7], %add3A {strides = array<i32>} : memref<3200x128xi32, #tpu.memory_space<vmem>>, vector<3200x128xi32>,
    return
  }
}

module attributes {stable_mosaic.version = 14 : i64} {
  func.func @_xpose_body(%arg0: i32, %arg1: memref<1x4096x128xf32, #tpu.memory_space<vmem>>, %arg2: memref<2x64x4096xf32, #tpu.memory_space<vmem>>) attributes {dimension_semantics = [#tpu.dimension_semantics<arbitrary>], iteration_bounds = array<i64: 50>, scalar_prefetch = 0 : i64, scratch_operands = 0 : i64, tpu.core_type = #tpu.core_type<tc>, window_params = [{transform_indices = @transform_0, window_bounds = array<i64: 1, 4096, 128>}, {transform_indices = @transform_1, window_bounds = array<i64: 2, 64, 4096>}]} {
    %get3A = arith.constant 0 : index
    %get3A_0 = arith.constant 0 : index
    %get3A_1 = arith.constant 0 : index
    %get3A_2 = vector.load %arg1[%get3A, %get3A_0, %get3A_1] : memref<1x4096x128xf32, #tpu.memory_space<vmem>>, vector<1x128x128xf32>
    %get3A_3 = vector.shape_cast %get3A_2 : vector<1x128x128xf32> to vector<128x128xf32>
    %transpose3A = tpu.transpose %get3A_3, [1, 0] : vector<128x128xf32> -> vector<128x128xf32>
    %reshape3A = vector.shape_cast %transpose3A : vector<128x128xf32> to vector<2x64x128xf32>
    %swap3A = arith.constant 0 : index
    %swap3A_4 = arith.constant 0 : index
    %swap3A_5 = arith.constant 0 : index
    %swap3A_6 = vector.load %arg2[%swap3A, %swap3A_4, %swap3A_5] : memref<2x64x4096xf32, #tpu.memory_space<vmem>>, vector<2x64x128xf32>
    tpu.vector_store %arg2[%swap3A, %swap3A_4, %swap3A_5], %reshape3A {strides = array<i32>} : memref<2x64x4096xf32, #tpu.memory_space<vmem>>, vector<2x64x128xf32>,
    %get3A_7 = arith.constant 0 : index
    %get3A_8 = arith.constant 128 : index
    %get3A_9 = arith.constant 0 : index
    %get3A_10 = vector.load %arg1[%get3A_7, %get3A_8, %get3A_9] : memref<1x4096x128xf32, #tpu.memory_space<vmem>>, vector<1x128x128xf32>
    %get3A_11 = vector.shape_cast %get3A_10 : vector<1x128x128xf32> to vector<128x128xf32>
    %transpose3A_12 = tpu.transpose %get3A_11, [1, 0] : vector<128x128xf32> -> vector<128x128xf32>
    %reshape3A_13 = vector.shape_cast %transpose3A_12 : vector<128x128xf32> to vector<2x64x128xf32>
    %swap3A_14 = arith.constant 0 : index
    %swap3A_15 = arith.constant 0 : index
    %swap3A_16 = arith.constant 128 : index
    %swap3A_17 = vector.load %arg2[%swap3A_14, %swap3A_15, %swap3A_16] : memref<2x64x4096xf32, #tpu.memory_space<vmem>>, vector<2x64x128xf32>
    tpu.vector_store %arg2[%swap3A_14, %swap3A_15, %swap3A_16], %reshape3A_13 {strides = array<i32>} : memref<2x64x4096xf32, #tpu.memory_space<vmem>>, vector<2x64x128xf32>,
    %get3A_18 = arith.constant 0 : index
    %get3A_19 = arith.constant 256 : index
    %get3A_20 = arith.constant 0 : index
    %get3A_21 = vector.load %arg1[%get3A_18, %get3A_19, %get3A_20] : memref<1x4096x128xf32, #tpu.memory_space<vmem>>, vector<1x128x128xf32>
    %get3A_22 = vector.shape_cast %get3A_21 : vector<1x128x128xf32> to vector<128x128xf32>
    %transpose3A_23 = tpu.transpose %get3A_22, [1, 0] : vector<128x128xf32> -> vector<128x128xf32>
    %reshape3A_24 = vector.shape_cast %transpose3A_23 : vector<128x128xf32> to vector<2x64x128xf32>
    %swap3A_25 = arith.constant 0 : index
    %swap3A_26 = arith.constant 0 : index
    %swap3A_27 = arith.constant 256 : index
    %swap3A_28 = vector.load %arg2[%swap3A_25, %swap3A_26, %swap3A_27] : memref<2x64x4096xf32, #tpu.memory_space<vmem>>, vector<2x64x128xf32>
    tpu.vector_store %arg2[%swap3A_25, %swap3A_26, %swap3A_27], %reshape3A_24 {strides = array<i32>} : memref<2x64x4096xf32, #tpu.memory_space<vmem>>, vector<2x64x128xf32>,
    %get3A_29 = arith.constant 0 : index
    %get3A_30 = arith.constant 384 : index
    %get3A_31 = arith.constant 0 : index
    %get3A_32 = vector.load %arg1[%get3A_29, %get3A_30, %get3A_31] : memref<1x4096x128xf32, #tpu.memory_space<vmem>>, vector<1x128x128xf32>
    %get3A_33 = vector.shape_cast %get3A_32 : vector<1x128x128xf32> to vector<128x128xf32>
    %transpose3A_34 = tpu.transpose %get3A_33, [1, 0] : vector<128x128xf32> -> vector<128x128xf32>
    %reshape3A_35 = vector.shape_cast %transpose3A_34 : vector<128x128xf32> to vector<2x64x128xf32>
    %swap3A_36 = arith.constant 0 : index
    %swap3A_37 = arith.constant 0 : index
    %swap3A_38 = arith.constant 384 : index
    %swap3A_39 = vector.load %arg2[%swap3A_36, %swap3A_37, %swap3A_38] : memref<2x64x4096xf32, #tpu.memory_space<vmem>>, vector<2x64x128xf32>
    tpu.vector_store %arg2[%swap3A_36, %swap3A_37, %swap3A_38], %reshape3A_35 {strides = array<i32>} : memref<2x64x4096xf32, #tpu.memory_space<vmem>>, vector<2x64x128xf32>,
    %get3A_40 = arith.constant 0 : index
    %get3A_41 = arith.constant 512 : index
    %get3A_42 = arith.constant 0 : index
    %get3A_43 = vector.load %arg1[%get3A_40, %get3A_41, %get3A_42] : memref<1x4096x128xf32, #tpu.memory_space<vmem>>, vector<1x128x128xf32>
    %get3A_44 = vector.shape_cast %get3A_43 : vector<1x128x128xf32> to vector<128x128xf32>
    %transpose3A_45 = tpu.transpose %get3A_44, [1, 0] : vector<128x128xf32> -> vector<128x128xf32>
    %reshape3A_46 = vector.shape_cast %transpose3A_45 : vector<128x128xf32> to vector<2x64x128xf32>
    %swap3A_47 = arith.constant 0 : index
    %swap3A_48 = arith.constant 0 : index
    %swap3A_49 = arith.constant 512 : index
    %swap3A_50 = vector.load %arg2[%swap3A_47, %swap3A_48, %swap3A_49] : memref<2x64x4096xf32, #tpu.memory_space<vmem>>, vector<2x64x128xf32>
    tpu.vector_store %arg2[%swap3A_47, %swap3A_48, %swap3A_49], %reshape3A_46 {strides = array<i32>} : memref<2x64x4096xf32, #tpu.memory_space<vmem>>, vector<2x64x128xf32>,
    %get3A_51 = arith.constant 0 : index
    %get3A_52 = arith.constant 640 : index
    %get3A_53 = arith.constant 0 : index
    %get3A_54 = vector.load %arg1[%get3A_51, %get3A_52, %get3A_53] : memref<1x4096x128xf32, #tpu.memory_space<vmem>>, vector<1x128x128xf32>
    %get3A_55 = vector.shape_cast %get3A_54 : vector<1x128x128xf32> to vector<128x128xf32>
    %transpose3A_56 = tpu.transpose %get3A_55, [1, 0] : vector<128x128xf32> -> vector<128x128xf32>
    %reshape3A_57 = vector.shape_cast %transpose3A_56 : vector<128x128xf32> to vector<2x64x128xf32>
    %swap3A_58 = arith.constant 0 : index
    %swap3A_59 = arith.constant 0 : index
    %swap3A_60 = arith.constant 640 : index
    %swap3A_61 = vector.load %arg2[%swap3A_58, %swap3A_59, %swap3A_60] : memref<2x64x4096xf32, #tpu.memory_space<vmem>>, vector<2x64x128xf32>
    tpu.vector_store %arg2[%swap3A_58, %swap3A_59, %swap3A_60], %reshape3A_57 {strides = array<i32>} : memref<2x64x4096xf32, #tpu.memory_space<vmem>>, vector<2x64x128xf32>,
    %get3A_62 = arith.constant 0 : index
    %get3A_63 = arith.constant 768 : index
    %get3A_64 = arith.constant 0 : index
    %get3A_65 = vector.load %arg1[%get3A_62, %get3A_63, %get3A_64] : memref<1x4096x128xf32, #tpu.memory_space<vmem>>, vector<1x128x128xf32>
    %get3A_66 = vector.shape_cast %get3A_65 : vector<1x128x128xf32> to vector<128x128xf32>
    %transpose3A_67 = tpu.transpose %get3A_66, [1, 0] : vector<128x128xf32> -> vector<128x128xf32>
    %reshape3A_68 = vector.shape_cast %transpose3A_67 : vector<128x128xf32> to vector<2x64x128xf32>
    %swap3A_69 = arith.constant 0 : index
    %swap3A_70 = arith.constant 0 : index
    %swap3A_71 = arith.constant 768 : index
    %swap3A_72 = vector.load %arg2[%swap3A_69, %swap3A_70, %swap3A_71] : memref<2x64x4096xf32, #tpu.memory_space<vmem>>, vector<2x64x128xf32>
    tpu.vector_store %arg2[%swap3A_69, %swap3A_70, %swap3A_71], %reshape3A_68 {strides = array<i32>} : memref<2x64x4096xf32, #tpu.memory_space<vmem>>, vector<2x64x128xf32>,
    %get3A_73 = arith.constant 0 : index
    %get3A_74 = arith.constant 896 : index
    %get3A_75 = arith.constant 0 : index
    %get3A_76 = vector.load %arg1[%get3A_73, %get3A_74, %get3A_75] : memref<1x4096x128xf32, #tpu.memory_space<vmem>>, vector<1x128x128xf32>
    %get3A_77 = vector.shape_cast %get3A_76 : vector<1x128x128xf32> to vector<128x128xf32>
    %transpose3A_78 = tpu.transpose %get3A_77, [1, 0] : vector<128x128xf32> -> vector<128x128xf32>
    %reshape3A_79 = vector.shape_cast %transpose3A_78 : vector<128x128xf32> to vector<2x64x128xf32>
    %swap3A_80 = arith.constant 0 : index
    %swap3A_81 = arith.constant 0 : index
    %swap3A_82 = arith.constant 896 : index
    %swap3A_83 = vector.load %arg2[%swap3A_80, %swap3A_81, %swap3A_82] : memref<2x64x4096xf32, #tpu.memory_space<vmem>>, vector<2x64x128xf32>
    tpu.vector_store %arg2[%swap3A_80, %swap3A_81, %swap3A_82], %reshape3A_79 {strides = array<i32>} : memref<2x64x4096xf32, #tpu.memory_space<vmem>>, vector<2x64x128xf32>,
    %get3A_84 = arith.constant 0 : index
    %get3A_85 = arith.constant 1024 : index
    %get3A_86 = arith.constant 0 : index
    %get3A_87 = vector.load %arg1[%get3A_84, %get3A_85, %get3A_86] : memref<1x4096x128xf32, #tpu.memory_space<vmem>>, vector<1x128x128xf32>
    %get3A_88 = vector.shape_cast %get3A_87 : vector<1x128x128xf32> to vector<128x128xf32>
    %transpose3A_89 = tpu.transpose %get3A_88, [1, 0] : vector<128x128xf32> -> vector<128x128xf32>
    %reshape3A_90 = vector.shape_cast %transpose3A_89 : vector<128x128xf32> to vector<2x64x128xf32>
    %swap3A_91 = arith.constant 0 : index
    %swap3A_92 = arith.constant 0 : index
    %swap3A_93 = arith.constant 1024 : index
    %swap3A_94 = vector.load %arg2[%swap3A_91, %swap3A_92, %swap3A_93] : memref<2x64x4096xf32, #tpu.memory_space<vmem>>, vector<2x64x128xf32>
    tpu.vector_store %arg2[%swap3A_91, %swap3A_92, %swap3A_93], %reshape3A_90 {strides = array<i32>} : memref<2x64x4096xf32, #tpu.memory_space<vmem>>, vector<2x64x128xf32>,
    %get3A_95 = arith.constant 0 : index
    %get3A_96 = arith.constant 1152 : index
    %get3A_97 = arith.constant 0 : index
    %get3A_98 = vector.load %arg1[%get3A_95, %get3A_96, %get3A_97] : memref<1x4096x128xf32, #tpu.memory_space<vmem>>, vector<1x128x128xf32>
    %get3A_99 = vector.shape_cast %get3A_98 : vector<1x128x128xf32> to vector<128x128xf32>
    %transpose3A_100 = tpu.transpose %get3A_99, [1, 0] : vector<128x128xf32> -> vector<128x128xf32>
    %reshape3A_101 = vector.shape_cast %transpose3A_100 : vector<128x128xf32> to vector<2x64x128xf32>
    %swap3A_102 = arith.constant 0 : index
    %swap3A_103 = arith.constant 0 : index
    %swap3A_104 = arith.constant 1152 : index
    %swap3A_105 = vector.load %arg2[%swap3A_102, %swap3A_103, %swap3A_104] : memref<2x64x4096xf32, #tpu.memory_space<vmem>>, vector<2x64x128xf32>
    tpu.vector_store %arg2[%swap3A_102, %swap3A_103, %swap3A_104], %reshape3A_101 {strides = array<i32>} : memref<2x64x4096xf32, #tpu.memory_space<vmem>>, vector<2x64x128xf32>,
    %get3A_106 = arith.constant 0 : index
    %get3A_107 = arith.constant 1280 : index
    %get3A_108 = arith.constant 0 : index
    %get3A_109 = vector.load %arg1[%get3A_106, %get3A_107, %get3A_108] : memref<1x4096x128xf32, #tpu.memory_space<vmem>>, vector<1x128x128xf32>
    %get3A_110 = vector.shape_cast %get3A_109 : vector<1x128x128xf32> to vector<128x128xf32>
    %transpose3A_111 = tpu.transpose %get3A_110, [1, 0] : vector<128x128xf32> -> vector<128x128xf32>
    %reshape3A_112 = vector.shape_cast %transpose3A_111 : vector<128x128xf32> to vector<2x64x128xf32>
    %swap3A_113 = arith.constant 0 : index
    %swap3A_114 = arith.constant 0 : index
    %swap3A_115 = arith.constant 1280 : index
    %swap3A_116 = vector.load %arg2[%swap3A_113, %swap3A_114, %swap3A_115] : memref<2x64x4096xf32, #tpu.memory_space<vmem>>, vector<2x64x128xf32>
    tpu.vector_store %arg2[%swap3A_113, %swap3A_114, %swap3A_115], %reshape3A_112 {strides = array<i32>} : memref<2x64x4096xf32, #tpu.memory_space<vmem>>, vector<2x64x128xf32>,
    %get3A_117 = arith.constant 0 : index
    %get3A_118 = arith.constant 1408 : index
    %get3A_119 = arith.constant 0 : index
    %get3A_120 = vector.load %arg1[%get3A_117, %get3A_118, %get3A_119] : memref<1x4096x128xf32, #tpu.memory_space<vmem>>, vector<1x128x128xf32>
    %get3A_121 = vector.shape_cast %get3A_120 : vector<1x128x128xf32> to vector<128x128xf32>
    %transpose3A_122 = tpu.transpose %get3A_121, [1, 0] : vector<128x128xf32> -> vector<128x128xf32>
    %reshape3A_123 = vector.shape_cast %transpose3A_122 : vector<128x128xf32> to vector<2x64x128xf32>
    %swap3A_124 = arith.constant 0 : index
    %swap3A_125 = arith.constant 0 : index
    %swap3A_126 = arith.constant 1408 : index
    %swap3A_127 = vector.load %arg2[%swap3A_124, %swap3A_125, %swap3A_126] : memref<2x64x4096xf32, #tpu.memory_space<vmem>>, vector<2x64x128xf32>
    tpu.vector_store %arg2[%swap3A_124, %swap3A_125, %swap3A_126], %reshape3A_123 {strides = array<i32>} : memref<2x64x4096xf32, #tpu.memory_space<vmem>>, vector<2x64x128xf32>,
    %get3A_128 = arith.constant 0 : index
    %get3A_129 = arith.constant 1536 : index
    %get3A_130 = arith.constant 0 : index
    %get3A_131 = vector.load %arg1[%get3A_128, %get3A_129, %get3A_130] : memref<1x4096x128xf32, #tpu.memory_space<vmem>>, vector<1x128x128xf32>
    %get3A_132 = vector.shape_cast %get3A_131 : vector<1x128x128xf32> to vector<128x128xf32>
    %transpose3A_133 = tpu.transpose %get3A_132, [1, 0] : vector<128x128xf32> -> vector<128x128xf32>
    %reshape3A_134 = vector.shape_cast %transpose3A_133 : vector<128x128xf32> to vector<2x64x128xf32>
    %swap3A_135 = arith.constant 0 : index
    %swap3A_136 = arith.constant 0 : index
    %swap3A_137 = arith.constant 1536 : index
    %swap3A_138 = vector.load %arg2[%swap3A_135, %swap3A_136, %swap3A_137] : memref<2x64x4096xf32, #tpu.memory_space<vmem>>, vector<2x64x128xf32>
    tpu.vector_store %arg2[%swap3A_135, %swap3A_136, %swap3A_137], %reshape3A_134 {strides = array<i32>} : memref<2x64x4096xf32, #tpu.memory_space<vmem>>, vector<2x64x128xf32>,
    %get3A_139 = arith.constant 0 : index
    %get3A_140 = arith.constant 1664 : index
    %get3A_141 = arith.constant 0 : index
    %get3A_142 = vector.load %arg1[%get3A_139, %get3A_140, %get3A_141] : memref<1x4096x128xf32, #tpu.memory_space<vmem>>, vector<1x128x128xf32>
    %get3A_143 = vector.shape_cast %get3A_142 : vector<1x128x128xf32> to vector<128x128xf32>
    %transpose3A_144 = tpu.transpose %get3A_143, [1, 0] : vector<128x128xf32> -> vector<128x128xf32>
    %reshape3A_145 = vector.shape_cast %transpose3A_144 : vector<128x128xf32> to vector<2x64x128xf32>
    %swap3A_146 = arith.constant 0 : index
    %swap3A_147 = arith.constant 0 : index
    %swap3A_148 = arith.constant 1664 : index
    %swap3A_149 = vector.load %arg2[%swap3A_146, %swap3A_147, %swap3A_148] : memref<2x64x4096xf32, #tpu.memory_space<vmem>>, vector<2x64x128xf32>
    tpu.vector_store %arg2[%swap3A_146, %swap3A_147, %swap3A_148], %reshape3A_145 {strides = array<i32>} : memref<2x64x4096xf32, #tpu.memory_space<vmem>>, vector<2x64x128xf32>,
    %get3A_150 = arith.constant 0 : index
    %get3A_151 = arith.constant 1792 : index
    %get3A_152 = arith.constant 0 : index
    %get3A_153 = vector.load %arg1[%get3A_150, %get3A_151, %get3A_152] : memref<1x4096x128xf32, #tpu.memory_space<vmem>>, vector<1x128x128xf32>
    %get3A_154 = vector.shape_cast %get3A_153 : vector<1x128x128xf32> to vector<128x128xf32>
    %transpose3A_155 = tpu.transpose %get3A_154, [1, 0] : vector<128x128xf32> -> vector<128x128xf32>
    %reshape3A_156 = vector.shape_cast %transpose3A_155 : vector<128x128xf32> to vector<2x64x128xf32>
    %swap3A_157 = arith.constant 0 : index
    %swap3A_158 = arith.constant 0 : index
    %swap3A_159 = arith.constant 1792 : index
    %swap3A_160 = vector.load %arg2[%swap3A_157, %swap3A_158, %swap3A_159] : memref<2x64x4096xf32, #tpu.memory_space<vmem>>, vector<2x64x128xf32>
    tpu.vector_store %arg2[%swap3A_157, %swap3A_158, %swap3A_159], %reshape3A_156 {strides = array<i32>} : memref<2x64x4096xf32, #tpu.memory_space<vmem>>, vector<2x64x128xf32>,
    %get3A_161 = arith.constant 0 : index
    %get3A_162 = arith.constant 1920 : index
    %get3A_163 = arith.constant 0 : index
    %get3A_164 = vector.load %arg1[%get3A_161, %get3A_162, %get3A_163] : memref<1x4096x128xf32, #tpu.memory_space<vmem>>, vector<1x128x128xf32>
    %get3A_165 = vector.shape_cast %get3A_164 : vector<1x128x128xf32> to vector<128x128xf32>
    %transpose3A_166 = tpu.transpose %get3A_165, [1, 0] : vector<128x128xf32> -> vector<128x128xf32>
    %reshape3A_167 = vector.shape_cast %transpose3A_166 : vector<128x128xf32> to vector<2x64x128xf32>
    %swap3A_168 = arith.constant 0 : index
    %swap3A_169 = arith.constant 0 : index
    %swap3A_170 = arith.constant 1920 : index
    %swap3A_171 = vector.load %arg2[%swap3A_168, %swap3A_169, %swap3A_170] : memref<2x64x4096xf32, #tpu.memory_space<vmem>>, vector<2x64x128xf32>
    tpu.vector_store %arg2[%swap3A_168, %swap3A_169, %swap3A_170], %reshape3A_167 {strides = array<i32>} : memref<2x64x4096xf32, #tpu.memory_space<vmem>>, vector<2x64x128xf32>,
    %get3A_172 = arith.constant 0 : index
    %get3A_173 = arith.constant 2048 : index
    %get3A_174 = arith.constant 0 : index
    %get3A_175 = vector.load %arg1[%get3A_172, %get3A_173, %get3A_174] : memref<1x4096x128xf32, #tpu.memory_space<vmem>>, vector<1x128x128xf32>
    %get3A_176 = vector.shape_cast %get3A_175 : vector<1x128x128xf32> to vector<128x128xf32>
    %transpose3A_177 = tpu.transpose %get3A_176, [1, 0] : vector<128x128xf32> -> vector<128x128xf32>
    %reshape3A_178 = vector.shape_cast %transpose3A_177 : vector<128x128xf32> to vector<2x64x128xf32>
    %swap3A_179 = arith.constant 0 : index
    %swap3A_180 = arith.constant 0 : index
    %swap3A_181 = arith.constant 2048 : index
    %swap3A_182 = vector.load %arg2[%swap3A_179, %swap3A_180, %swap3A_181] : memref<2x64x4096xf32, #tpu.memory_space<vmem>>, vector<2x64x128xf32>
    tpu.vector_store %arg2[%swap3A_179, %swap3A_180, %swap3A_181], %reshape3A_178 {strides = array<i32>} : memref<2x64x4096xf32, #tpu.memory_space<vmem>>, vector<2x64x128xf32>,
    %get3A_183 = arith.constant 0 : index
    %get3A_184 = arith.constant 2176 : index
    %get3A_185 = arith.constant 0 : index
    %get3A_186 = vector.load %arg1[%get3A_183, %get3A_184, %get3A_185] : memref<1x4096x128xf32, #tpu.memory_space<vmem>>, vector<1x128x128xf32>
    %get3A_187 = vector.shape_cast %get3A_186 : vector<1x128x128xf32> to vector<128x128xf32>
    %transpose3A_188 = tpu.transpose %get3A_187, [1, 0] : vector<128x128xf32> -> vector<128x128xf32>
    %reshape3A_189 = vector.shape_cast %transpose3A_188 : vector<128x128xf32> to vector<2x64x128xf32>
    %swap3A_190 = arith.constant 0 : index
    %swap3A_191 = arith.constant 0 : index
    %swap3A_192 = arith.constant 2176 : index
    %swap3A_193 = vector.load %arg2[%swap3A_190, %swap3A_191, %swap3A_192] : memref<2x64x4096xf32, #tpu.memory_space<vmem>>, vector<2x64x128xf32>
    tpu.vector_store %arg2[%swap3A_190, %swap3A_191, %swap3A_192], %reshape3A_189 {strides = array<i32>} : memref<2x64x4096xf32, #tpu.memory_space<vmem>>, vector<2x64x128xf32>,
    %get3A_194 = arith.constant 0 : index
    %get3A_195 = arith.constant 2304 : index
    %get3A_196 = arith.constant 0 : index
    %get3A_197 = vector.load %arg1[%get3A_194, %get3A_195, %get3A_196] : memref<1x4096x128xf32, #tpu.memory_space<vmem>>, vector<1x128x128xf32>
    %get3A_198 = vector.shape_cast %get3A_197 : vector<1x128x128xf32> to vector<128x128xf32>
    %transpose3A_199 = tpu.transpose %get3A_198, [1, 0] : vector<128x128xf32> -> vector<128x128xf32>
    %reshape3A_200 = vector.shape_cast %transpose3A_199 : vector<128x128xf32> to vector<2x64x128xf32>
    %swap3A_201 = arith.constant 0 : index
    %swap3A_202 = arith.constant 0 : index
    %swap3A_203 = arith.constant 2304 : index
    %swap3A_204 = vector.load %arg2[%swap3A_201, %swap3A_202, %swap3A_203] : memref<2x64x4096xf32, #tpu.memory_space<vmem>>, vector<2x64x128xf32>
    tpu.vector_store %arg2[%swap3A_201, %swap3A_202, %swap3A_203], %reshape3A_200 {strides = array<i32>} : memref<2x64x4096xf32, #tpu.memory_space<vmem>>, vector<2x64x128xf32>,
    %get3A_205 = arith.constant 0 : index
    %get3A_206 = arith.constant 2432 : index
    %get3A_207 = arith.constant 0 : index
    %get3A_208 = vector.load %arg1[%get3A_205, %get3A_206, %get3A_207] : memref<1x4096x128xf32, #tpu.memory_space<vmem>>, vector<1x128x128xf32>
    %get3A_209 = vector.shape_cast %get3A_208 : vector<1x128x128xf32> to vector<128x128xf32>
    %transpose3A_210 = tpu.transpose %get3A_209, [1, 0] : vector<128x128xf32> -> vector<128x128xf32>
    %reshape3A_211 = vector.shape_cast %transpose3A_210 : vector<128x128xf32> to vector<2x64x128xf32>
    %swap3A_212 = arith.constant 0 : index
    %swap3A_213 = arith.constant 0 : index
    %swap3A_214 = arith.constant 2432 : index
    %swap3A_215 = vector.load %arg2[%swap3A_212, %swap3A_213, %swap3A_214] : memref<2x64x4096xf32, #tpu.memory_space<vmem>>, vector<2x64x128xf32>
    tpu.vector_store %arg2[%swap3A_212, %swap3A_213, %swap3A_214], %reshape3A_211 {strides = array<i32>} : memref<2x64x4096xf32, #tpu.memory_space<vmem>>, vector<2x64x128xf32>,
    %get3A_216 = arith.constant 0 : index
    %get3A_217 = arith.constant 2560 : index
    %get3A_218 = arith.constant 0 : index
    %get3A_219 = vector.load %arg1[%get3A_216, %get3A_217, %get3A_218] : memref<1x4096x128xf32, #tpu.memory_space<vmem>>, vector<1x128x128xf32>
    %get3A_220 = vector.shape_cast %get3A_219 : vector<1x128x128xf32> to vector<128x128xf32>
    %transpose3A_221 = tpu.transpose %get3A_220, [1, 0] : vector<128x128xf32> -> vector<128x128xf32>
    %reshape3A_222 = vector.shape_cast %transpose3A_221 : vector<128x128xf32> to vector<2x64x128xf32>
    %swap3A_223 = arith.constant 0 : index
    %swap3A_224 = arith.constant 0 : index
    %swap3A_225 = arith.constant 2560 : index
    %swap3A_226 = vector.load %arg2[%swap3A_223, %swap3A_224, %swap3A_225] : memref<2x64x4096xf32, #tpu.memory_space<vmem>>, vector<2x64x128xf32>
    tpu.vector_store %arg2[%swap3A_223, %swap3A_224, %swap3A_225], %reshape3A_222 {strides = array<i32>} : memref<2x64x4096xf32, #tpu.memory_space<vmem>>, vector<2x64x128xf32>,
    %get3A_227 = arith.constant 0 : index
    %get3A_228 = arith.constant 2688 : index
    %get3A_229 = arith.constant 0 : index
    %get3A_230 = vector.load %arg1[%get3A_227, %get3A_228, %get3A_229] : memref<1x4096x128xf32, #tpu.memory_space<vmem>>, vector<1x128x128xf32>
    %get3A_231 = vector.shape_cast %get3A_230 : vector<1x128x128xf32> to vector<128x128xf32>
    %transpose3A_232 = tpu.transpose %get3A_231, [1, 0] : vector<128x128xf32> -> vector<128x128xf32>
    %reshape3A_233 = vector.shape_cast %transpose3A_232 : vector<128x128xf32> to vector<2x64x128xf32>
    %swap3A_234 = arith.constant 0 : index
    %swap3A_235 = arith.constant 0 : index
    %swap3A_236 = arith.constant 2688 : index
    %swap3A_237 = vector.load %arg2[%swap3A_234, %swap3A_235, %swap3A_236] : memref<2x64x4096xf32, #tpu.memory_space<vmem>>, vector<2x64x128xf32>
    tpu.vector_store %arg2[%swap3A_234, %swap3A_235, %swap3A_236], %reshape3A_233 {strides = array<i32>} : memref<2x64x4096xf32, #tpu.memory_space<vmem>>, vector<2x64x128xf32>,
    %get3A_238 = arith.constant 0 : index
    %get3A_239 = arith.constant 2816 : index
    %get3A_240 = arith.constant 0 : index
    %get3A_241 = vector.load %arg1[%get3A_238, %get3A_239, %get3A_240] : memref<1x4096x128xf32, #tpu.memory_space<vmem>>, vector<1x128x128xf32>
    %get3A_242 = vector.shape_cast %get3A_241 : vector<1x128x128xf32> to vector<128x128xf32>
    %transpose3A_243 = tpu.transpose %get3A_242, [1, 0] : vector<128x128xf32> -> vector<128x128xf32>
    %reshape3A_244 = vector.shape_cast %transpose3A_243 : vector<128x128xf32> to vector<2x64x128xf32>
    %swap3A_245 = arith.constant 0 : index
    %swap3A_246 = arith.constant 0 : index
    %swap3A_247 = arith.constant 2816 : index
    %swap3A_248 = vector.load %arg2[%swap3A_245, %swap3A_246, %swap3A_247] : memref<2x64x4096xf32, #tpu.memory_space<vmem>>, vector<2x64x128xf32>
    tpu.vector_store %arg2[%swap3A_245, %swap3A_246, %swap3A_247], %reshape3A_244 {strides = array<i32>} : memref<2x64x4096xf32, #tpu.memory_space<vmem>>, vector<2x64x128xf32>,
    %get3A_249 = arith.constant 0 : index
    %get3A_250 = arith.constant 2944 : index
    %get3A_251 = arith.constant 0 : index
    %get3A_252 = vector.load %arg1[%get3A_249, %get3A_250, %get3A_251] : memref<1x4096x128xf32, #tpu.memory_space<vmem>>, vector<1x128x128xf32>
    %get3A_253 = vector.shape_cast %get3A_252 : vector<1x128x128xf32> to vector<128x128xf32>
    %transpose3A_254 = tpu.transpose %get3A_253, [1, 0] : vector<128x128xf32> -> vector<128x128xf32>
    %reshape3A_255 = vector.shape_cast %transpose3A_254 : vector<128x128xf32> to vector<2x64x128xf32>
    %swap3A_256 = arith.constant 0 : index
    %swap3A_257 = arith.constant 0 : index
    %swap3A_258 = arith.constant 2944 : index
    %swap3A_259 = vector.load %arg2[%swap3A_256, %swap3A_257, %swap3A_258] : memref<2x64x4096xf32, #tpu.memory_space<vmem>>, vector<2x64x128xf32>
    tpu.vector_store %arg2[%swap3A_256, %swap3A_257, %swap3A_258], %reshape3A_255 {strides = array<i32>} : memref<2x64x4096xf32, #tpu.memory_space<vmem>>, vector<2x64x128xf32>,
    %get3A_260 = arith.constant 0 : index
    %get3A_261 = arith.constant 3072 : index
    %get3A_262 = arith.constant 0 : index
    %get3A_263 = vector.load %arg1[%get3A_260, %get3A_261, %get3A_262] : memref<1x4096x128xf32, #tpu.memory_space<vmem>>, vector<1x128x128xf32>
    %get3A_264 = vector.shape_cast %get3A_263 : vector<1x128x128xf32> to vector<128x128xf32>
    %transpose3A_265 = tpu.transpose %get3A_264, [1, 0] : vector<128x128xf32> -> vector<128x128xf32>
    %reshape3A_266 = vector.shape_cast %transpose3A_265 : vector<128x128xf32> to vector<2x64x128xf32>
    %swap3A_267 = arith.constant 0 : index
    %swap3A_268 = arith.constant 0 : index
    %swap3A_269 = arith.constant 3072 : index
    %swap3A_270 = vector.load %arg2[%swap3A_267, %swap3A_268, %swap3A_269] : memref<2x64x4096xf32, #tpu.memory_space<vmem>>, vector<2x64x128xf32>
    tpu.vector_store %arg2[%swap3A_267, %swap3A_268, %swap3A_269], %reshape3A_266 {strides = array<i32>} : memref<2x64x4096xf32, #tpu.memory_space<vmem>>, vector<2x64x128xf32>,
    %get3A_271 = arith.constant 0 : index
    %get3A_272 = arith.constant 3200 : index
    %get3A_273 = arith.constant 0 : index
    %get3A_274 = vector.load %arg1[%get3A_271, %get3A_272, %get3A_273] : memref<1x4096x128xf32, #tpu.memory_space<vmem>>, vector<1x128x128xf32>
    %get3A_275 = vector.shape_cast %get3A_274 : vector<1x128x128xf32> to vector<128x128xf32>
    %transpose3A_276 = tpu.transpose %get3A_275, [1, 0] : vector<128x128xf32> -> vector<128x128xf32>
    %reshape3A_277 = vector.shape_cast %transpose3A_276 : vector<128x128xf32> to vector<2x64x128xf32>
    %swap3A_278 = arith.constant 0 : index
    %swap3A_279 = arith.constant 0 : index
    %swap3A_280 = arith.constant 3200 : index
    %swap3A_281 = vector.load %arg2[%swap3A_278, %swap3A_279, %swap3A_280] : memref<2x64x4096xf32, #tpu.memory_space<vmem>>, vector<2x64x128xf32>
    tpu.vector_store %arg2[%swap3A_278, %swap3A_279, %swap3A_280], %reshape3A_277 {strides = array<i32>} : memref<2x64x4096xf32, #tpu.memory_space<vmem>>, vector<2x64x128xf32>,
    %get3A_282 = arith.constant 0 : index
    %get3A_283 = arith.constant 3328 : index
    %get3A_284 = arith.constant 0 : index
    %get3A_285 = vector.load %arg1[%get3A_282, %get3A_283, %get3A_284] : memref<1x4096x128xf32, #tpu.memory_space<vmem>>, vector<1x128x128xf32>
    %get3A_286 = vector.shape_cast %get3A_285 : vector<1x128x128xf32> to vector<128x128xf32>
    %transpose3A_287 = tpu.transpose %get3A_286, [1, 0] : vector<128x128xf32> -> vector<128x128xf32>
    %reshape3A_288 = vector.shape_cast %transpose3A_287 : vector<128x128xf32> to vector<2x64x128xf32>
    %swap3A_289 = arith.constant 0 : index
    %swap3A_290 = arith.constant 0 : index
    %swap3A_291 = arith.constant 3328 : index
    %swap3A_292 = vector.load %arg2[%swap3A_289, %swap3A_290, %swap3A_291] : memref<2x64x4096xf32, #tpu.memory_space<vmem>>, vector<2x64x128xf32>
    tpu.vector_store %arg2[%swap3A_289, %swap3A_290, %swap3A_291], %reshape3A_288 {strides = array<i32>} : memref<2x64x4096xf32, #tpu.memory_space<vmem>>, vector<2x64x128xf32>,
    %get3A_293 = arith.constant 0 : index
    %get3A_294 = arith.constant 3456 : index
    %get3A_295 = arith.constant 0 : index
    %get3A_296 = vector.load %arg1[%get3A_293, %get3A_294, %get3A_295] : memref<1x4096x128xf32, #tpu.memory_space<vmem>>, vector<1x128x128xf32>
    %get3A_297 = vector.shape_cast %get3A_296 : vector<1x128x128xf32> to vector<128x128xf32>
    %transpose3A_298 = tpu.transpose %get3A_297, [1, 0] : vector<128x128xf32> -> vector<128x128xf32>
    %reshape3A_299 = vector.shape_cast %transpose3A_298 : vector<128x128xf32> to vector<2x64x128xf32>
    %swap3A_300 = arith.constant 0 : index
    %swap3A_301 = arith.constant 0 : index
    %swap3A_302 = arith.constant 3456 : index
    %swap3A_303 = vector.load %arg2[%swap3A_300, %swap3A_301, %swap3A_302] : memref<2x64x4096xf32, #tpu.memory_space<vmem>>, vector<2x64x128xf32>
    tpu.vector_store %arg2[%swap3A_300, %swap3A_301, %swap3A_302], %reshape3A_299 {strides = array<i32>} : memref<2x64x4096xf32, #tpu.memory_space<vmem>>, vector<2x64x128xf32>,
    %get3A_304 = arith.constant 0 : index
    %get3A_305 = arith.constant 3584 : index
    %get3A_306 = arith.constant 0 : index
    %get3A_307 = vector.load %arg1[%get3A_304, %get3A_305, %get3A_306] : memref<1x4096x128xf32, #tpu.memory_space<vmem>>, vector<1x128x128xf32>
    %get3A_308 = vector.shape_cast %get3A_307 : vector<1x128x128xf32> to vector<128x128xf32>
    %transpose3A_309 = tpu.transpose %get3A_308, [1, 0] : vector<128x128xf32> -> vector<128x128xf32>
    %reshape3A_310 = vector.shape_cast %transpose3A_309 : vector<128x128xf32> to vector<2x64x128xf32>
    %swap3A_311 = arith.constant 0 : index
    %swap3A_312 = arith.constant 0 : index
    %swap3A_313 = arith.constant 3584 : index
    %swap3A_314 = vector.load %arg2[%swap3A_311, %swap3A_312, %swap3A_313] : memref<2x64x4096xf32, #tpu.memory_space<vmem>>, vector<2x64x128xf32>
    tpu.vector_store %arg2[%swap3A_311, %swap3A_312, %swap3A_313], %reshape3A_310 {strides = array<i32>} : memref<2x64x4096xf32, #tpu.memory_space<vmem>>, vector<2x64x128xf32>,
    %get3A_315 = arith.constant 0 : index
    %get3A_316 = arith.constant 3712 : index
    %get3A_317 = arith.constant 0 : index
    %get3A_318 = vector.load %arg1[%get3A_315, %get3A_316, %get3A_317] : memref<1x4096x128xf32, #tpu.memory_space<vmem>>, vector<1x128x128xf32>
    %get3A_319 = vector.shape_cast %get3A_318 : vector<1x128x128xf32> to vector<128x128xf32>
    %transpose3A_320 = tpu.transpose %get3A_319, [1, 0] : vector<128x128xf32> -> vector<128x128xf32>
    %reshape3A_321 = vector.shape_cast %transpose3A_320 : vector<128x128xf32> to vector<2x64x128xf32>
    %swap3A_322 = arith.constant 0 : index
    %swap3A_323 = arith.constant 0 : index
    %swap3A_324 = arith.constant 3712 : index
    %swap3A_325 = vector.load %arg2[%swap3A_322, %swap3A_323, %swap3A_324] : memref<2x64x4096xf32, #tpu.memory_space<vmem>>, vector<2x64x128xf32>
    tpu.vector_store %arg2[%swap3A_322, %swap3A_323, %swap3A_324], %reshape3A_321 {strides = array<i32>} : memref<2x64x4096xf32, #tpu.memory_space<vmem>>, vector<2x64x128xf32>,
    %get3A_326 = arith.constant 0 : index
    %get3A_327 = arith.constant 3840 : index
    %get3A_328 = arith.constant 0 : index
    %get3A_329 = vector.load %arg1[%get3A_326, %get3A_327, %get3A_328] : memref<1x4096x128xf32, #tpu.memory_space<vmem>>, vector<1x128x128xf32>
    %get3A_330 = vector.shape_cast %get3A_329 : vector<1x128x128xf32> to vector<128x128xf32>
    %transpose3A_331 = tpu.transpose %get3A_330, [1, 0] : vector<128x128xf32> -> vector<128x128xf32>
    %reshape3A_332 = vector.shape_cast %transpose3A_331 : vector<128x128xf32> to vector<2x64x128xf32>
    %swap3A_333 = arith.constant 0 : index
    %swap3A_334 = arith.constant 0 : index
    %swap3A_335 = arith.constant 3840 : index
    %swap3A_336 = vector.load %arg2[%swap3A_333, %swap3A_334, %swap3A_335] : memref<2x64x4096xf32, #tpu.memory_space<vmem>>, vector<2x64x128xf32>
    tpu.vector_store %arg2[%swap3A_333, %swap3A_334, %swap3A_335], %reshape3A_332 {strides = array<i32>} : memref<2x64x4096xf32, #tpu.memory_space<vmem>>, vector<2x64x128xf32>,
    %get3A_337 = arith.constant 0 : index
    %get3A_338 = arith.constant 3968 : index
    %get3A_339 = arith.constant 0 : index
    %get3A_340 = vector.load %arg1[%get3A_337, %get3A_338, %get3A_339] : memref<1x4096x128xf32, #tpu.memory_space<vmem>>, vector<1x128x128xf32>
    %get3A_341 = vector.shape_cast %get3A_340 : vector<1x128x128xf32> to vector<128x128xf32>
    %transpose3A_342 = tpu.transpose %get3A_341, [1, 0] : vector<128x128xf32> -> vector<128x128xf32>
    %reshape3A_343 = vector.shape_cast %transpose3A_342 : vector<128x128xf32> to vector<2x64x128xf32>
    %swap3A_344 = arith.constant 0 : index
    %swap3A_345 = arith.constant 0 : index
    %swap3A_346 = arith.constant 3968 : index
    %swap3A_347 = vector.load %arg2[%swap3A_344, %swap3A_345, %swap3A_346] : memref<2x64x4096xf32, #tpu.memory_space<vmem>>, vector<2x64x128xf32>
    tpu.vector_store %arg2[%swap3A_344, %swap3A_345, %swap3A_346], %reshape3A_343 {strides = array<i32>} : memref<2x64x4096xf32, #tpu.memory_space<vmem>>, vector<2x64x128xf32>,
    return
  }
  func.func @transform_0(%arg0: i32) -> (i32, i32, i32) {
    %c0_i32 = arith.constant 0 : i32
    %c0_i32_0 = arith.constant 0 : i32
    %c0_i32_1 = arith.constant 0 : i32
    return %arg0, %c0_i32, %c0_i32_0 : i32, i32, i32
  }
  func.func @transform_1(%arg0: i32) -> (i32, i32, i32) {
    %add3A = arith.constant 0 : i32
    %add3A_0 = arith.addi %add3A, %arg0 : i32
    %c0_i32 = arith.constant 0 : i32
    %c0_i32_1 = arith.constant 0 : i32
    %c0_i32_2 = arith.constant 0 : i32
    return %add3A_0, %c0_i32, %c0_i32_1 : i32, i32, i32
  }
}

module attributes {stable_mosaic.version = 14 : i64} {
  func.func @_xpose_body_chained(%arg0: i32, %arg1: memref<1x4096x128xf32, #tpu.memory_space<vmem>>, %arg2: memref<200x64x4096xf32, #tpu.memory_space<any>>, %arg3: memref<2x64x4096xf32, #tpu.memory_space<vmem>>) attributes {dimension_semantics = [#tpu.dimension_semantics<arbitrary>], iteration_bounds = array<i64: 50>, scalar_prefetch = 0 : i64, scratch_operands = 0 : i64, tpu.core_type = #tpu.core_type<tc>, window_params = [{transform_indices = @transform_0, window_bounds = array<i64: 1, 4096, 128>}, {}, {transform_indices = @transform_2, window_bounds = array<i64: 2, 64, 4096>}]} {
    %get3A = arith.constant 0 : index
    %get3A_0 = arith.constant 0 : index
    %get3A_1 = arith.constant 0 : index
    %get3A_2 = vector.load %arg1[%get3A, %get3A_0, %get3A_1] : memref<1x4096x128xf32, #tpu.memory_space<vmem>>, vector<1x128x128xf32>
    %get3A_3 = vector.shape_cast %get3A_2 : vector<1x128x128xf32> to vector<128x128xf32>
    %transpose3A = tpu.transpose %get3A_3, [1, 0] : vector<128x128xf32> -> vector<128x128xf32>
    %reshape3A = vector.shape_cast %transpose3A : vector<128x128xf32> to vector<2x64x128xf32>
    %swap3A = arith.constant 0 : index
    %swap3A_4 = arith.constant 0 : index
    %swap3A_5 = arith.constant 0 : index
    %swap3A_6 = vector.load %arg3[%swap3A, %swap3A_4, %swap3A_5] : memref<2x64x4096xf32, #tpu.memory_space<vmem>>, vector<2x64x128xf32>
    tpu.vector_store %arg3[%swap3A, %swap3A_4, %swap3A_5], %reshape3A {strides = array<i32>} : memref<2x64x4096xf32, #tpu.memory_space<vmem>>, vector<2x64x128xf32>,
    %get3A_7 = arith.constant 0 : index
    %get3A_8 = arith.constant 128 : index
    %get3A_9 = arith.constant 0 : index
    %get3A_10 = vector.load %arg1[%get3A_7, %get3A_8, %get3A_9] : memref<1x4096x128xf32, #tpu.memory_space<vmem>>, vector<1x128x128xf32>
    %get3A_11 = vector.shape_cast %get3A_10 : vector<1x128x128xf32> to vector<128x128xf32>
    %transpose3A_12 = tpu.transpose %get3A_11, [1, 0] : vector<128x128xf32> -> vector<128x128xf32>
    %reshape3A_13 = vector.shape_cast %transpose3A_12 : vector<128x128xf32> to vector<2x64x128xf32>
    %swap3A_14 = arith.constant 0 : index
    %swap3A_15 = arith.constant 0 : index
    %swap3A_16 = arith.constant 128 : index
    %swap3A_17 = vector.load %arg3[%swap3A_14, %swap3A_15, %swap3A_16] : memref<2x64x4096xf32, #tpu.memory_space<vmem>>, vector<2x64x128xf32>
    tpu.vector_store %arg3[%swap3A_14, %swap3A_15, %swap3A_16], %reshape3A_13 {strides = array<i32>} : memref<2x64x4096xf32, #tpu.memory_space<vmem>>, vector<2x64x128xf32>,
    %get3A_18 = arith.constant 0 : index
    %get3A_19 = arith.constant 256 : index
    %get3A_20 = arith.constant 0 : index
    %get3A_21 = vector.load %arg1[%get3A_18, %get3A_19, %get3A_20] : memref<1x4096x128xf32, #tpu.memory_space<vmem>>, vector<1x128x128xf32>
    %get3A_22 = vector.shape_cast %get3A_21 : vector<1x128x128xf32> to vector<128x128xf32>
    %transpose3A_23 = tpu.transpose %get3A_22, [1, 0] : vector<128x128xf32> -> vector<128x128xf32>
    %reshape3A_24 = vector.shape_cast %transpose3A_23 : vector<128x128xf32> to vector<2x64x128xf32>
    %swap3A_25 = arith.constant 0 : index
    %swap3A_26 = arith.constant 0 : index
    %swap3A_27 = arith.constant 256 : index
    %swap3A_28 = vector.load %arg3[%swap3A_25, %swap3A_26, %swap3A_27] : memref<2x64x4096xf32, #tpu.memory_space<vmem>>, vector<2x64x128xf32>
    tpu.vector_store %arg3[%swap3A_25, %swap3A_26, %swap3A_27], %reshape3A_24 {strides = array<i32>} : memref<2x64x4096xf32, #tpu.memory_space<vmem>>, vector<2x64x128xf32>,
    %get3A_29 = arith.constant 0 : index
    %get3A_30 = arith.constant 384 : index
    %get3A_31 = arith.constant 0 : index
    %get3A_32 = vector.load %arg1[%get3A_29, %get3A_30, %get3A_31] : memref<1x4096x128xf32, #tpu.memory_space<vmem>>, vector<1x128x128xf32>
    %get3A_33 = vector.shape_cast %get3A_32 : vector<1x128x128xf32> to vector<128x128xf32>
    %transpose3A_34 = tpu.transpose %get3A_33, [1, 0] : vector<128x128xf32> -> vector<128x128xf32>
    %reshape3A_35 = vector.shape_cast %transpose3A_34 : vector<128x128xf32> to vector<2x64x128xf32>
    %swap3A_36 = arith.constant 0 : index
    %swap3A_37 = arith.constant 0 : index
    %swap3A_38 = arith.constant 384 : index
    %swap3A_39 = vector.load %arg3[%swap3A_36, %swap3A_37, %swap3A_38] : memref<2x64x4096xf32, #tpu.memory_space<vmem>>, vector<2x64x128xf32>
    tpu.vector_store %arg3[%swap3A_36, %swap3A_37, %swap3A_38], %reshape3A_35 {strides = array<i32>} : memref<2x64x4096xf32, #tpu.memory_space<vmem>>, vector<2x64x128xf32>,
    %get3A_40 = arith.constant 0 : index
    %get3A_41 = arith.constant 512 : index
    %get3A_42 = arith.constant 0 : index
    %get3A_43 = vector.load %arg1[%get3A_40, %get3A_41, %get3A_42] : memref<1x4096x128xf32, #tpu.memory_space<vmem>>, vector<1x128x128xf32>
    %get3A_44 = vector.shape_cast %get3A_43 : vector<1x128x128xf32> to vector<128x128xf32>
    %transpose3A_45 = tpu.transpose %get3A_44, [1, 0] : vector<128x128xf32> -> vector<128x128xf32>
    %reshape3A_46 = vector.shape_cast %transpose3A_45 : vector<128x128xf32> to vector<2x64x128xf32>
    %swap3A_47 = arith.constant 0 : index
    %swap3A_48 = arith.constant 0 : index
    %swap3A_49 = arith.constant 512 : index
    %swap3A_50 = vector.load %arg3[%swap3A_47, %swap3A_48, %swap3A_49] : memref<2x64x4096xf32, #tpu.memory_space<vmem>>, vector<2x64x128xf32>
    tpu.vector_store %arg3[%swap3A_47, %swap3A_48, %swap3A_49], %reshape3A_46 {strides = array<i32>} : memref<2x64x4096xf32, #tpu.memory_space<vmem>>, vector<2x64x128xf32>,
    %get3A_51 = arith.constant 0 : index
    %get3A_52 = arith.constant 640 : index
    %get3A_53 = arith.constant 0 : index
    %get3A_54 = vector.load %arg1[%get3A_51, %get3A_52, %get3A_53] : memref<1x4096x128xf32, #tpu.memory_space<vmem>>, vector<1x128x128xf32>
    %get3A_55 = vector.shape_cast %get3A_54 : vector<1x128x128xf32> to vector<128x128xf32>
    %transpose3A_56 = tpu.transpose %get3A_55, [1, 0] : vector<128x128xf32> -> vector<128x128xf32>
    %reshape3A_57 = vector.shape_cast %transpose3A_56 : vector<128x128xf32> to vector<2x64x128xf32>
    %swap3A_58 = arith.constant 0 : index
    %swap3A_59 = arith.constant 0 : index
    %swap3A_60 = arith.constant 640 : index
    %swap3A_61 = vector.load %arg3[%swap3A_58, %swap3A_59, %swap3A_60] : memref<2x64x4096xf32, #tpu.memory_space<vmem>>, vector<2x64x128xf32>
    tpu.vector_store %arg3[%swap3A_58, %swap3A_59, %swap3A_60], %reshape3A_57 {strides = array<i32>} : memref<2x64x4096xf32, #tpu.memory_space<vmem>>, vector<2x64x128xf32>,
    %get3A_62 = arith.constant 0 : index
    %get3A_63 = arith.constant 768 : index
    %get3A_64 = arith.constant 0 : index
    %get3A_65 = vector.load %arg1[%get3A_62, %get3A_63, %get3A_64] : memref<1x4096x128xf32, #tpu.memory_space<vmem>>, vector<1x128x128xf32>
    %get3A_66 = vector.shape_cast %get3A_65 : vector<1x128x128xf32> to vector<128x128xf32>
    %transpose3A_67 = tpu.transpose %get3A_66, [1, 0] : vector<128x128xf32> -> vector<128x128xf32>
    %reshape3A_68 = vector.shape_cast %transpose3A_67 : vector<128x128xf32> to vector<2x64x128xf32>
    %swap3A_69 = arith.constant 0 : index
    %swap3A_70 = arith.constant 0 : index
    %swap3A_71 = arith.constant 768 : index
    %swap3A_72 = vector.load %arg3[%swap3A_69, %swap3A_70, %swap3A_71] : memref<2x64x4096xf32, #tpu.memory_space<vmem>>, vector<2x64x128xf32>
    tpu.vector_store %arg3[%swap3A_69, %swap3A_70, %swap3A_71], %reshape3A_68 {strides = array<i32>} : memref<2x64x4096xf32, #tpu.memory_space<vmem>>, vector<2x64x128xf32>,
    %get3A_73 = arith.constant 0 : index
    %get3A_74 = arith.constant 896 : index
    %get3A_75 = arith.constant 0 : index
    %get3A_76 = vector.load %arg1[%get3A_73, %get3A_74, %get3A_75] : memref<1x4096x128xf32, #tpu.memory_space<vmem>>, vector<1x128x128xf32>
    %get3A_77 = vector.shape_cast %get3A_76 : vector<1x128x128xf32> to vector<128x128xf32>
    %transpose3A_78 = tpu.transpose %get3A_77, [1, 0] : vector<128x128xf32> -> vector<128x128xf32>
    %reshape3A_79 = vector.shape_cast %transpose3A_78 : vector<128x128xf32> to vector<2x64x128xf32>
    %swap3A_80 = arith.constant 0 : index
    %swap3A_81 = arith.constant 0 : index
    %swap3A_82 = arith.constant 896 : index
    %swap3A_83 = vector.load %arg3[%swap3A_80, %swap3A_81, %swap3A_82] : memref<2x64x4096xf32, #tpu.memory_space<vmem>>, vector<2x64x128xf32>
    tpu.vector_store %arg3[%swap3A_80, %swap3A_81, %swap3A_82], %reshape3A_79 {strides = array<i32>} : memref<2x64x4096xf32, #tpu.memory_space<vmem>>, vector<2x64x128xf32>,
    %get3A_84 = arith.constant 0 : index
    %get3A_85 = arith.constant 1024 : index
    %get3A_86 = arith.constant 0 : index
    %get3A_87 = vector.load %arg1[%get3A_84, %get3A_85, %get3A_86] : memref<1x4096x128xf32, #tpu.memory_space<vmem>>, vector<1x128x128xf32>
    %get3A_88 = vector.shape_cast %get3A_87 : vector<1x128x128xf32> to vector<128x128xf32>
    %transpose3A_89 = tpu.transpose %get3A_88, [1, 0] : vector<128x128xf32> -> vector<128x128xf32>
    %reshape3A_90 = vector.shape_cast %transpose3A_89 : vector<128x128xf32> to vector<2x64x128xf32>
    %swap3A_91 = arith.constant 0 : index
    %swap3A_92 = arith.constant 0 : index
    %swap3A_93 = arith.constant 1024 : index
    %swap3A_94 = vector.load %arg3[%swap3A_91, %swap3A_92, %swap3A_93] : memref<2x64x4096xf32, #tpu.memory_space<vmem>>, vector<2x64x128xf32>
    tpu.vector_store %arg3[%swap3A_91, %swap3A_92, %swap3A_93], %reshape3A_90 {strides = array<i32>} : memref<2x64x4096xf32, #tpu.memory_space<vmem>>, vector<2x64x128xf32>,
    %get3A_95 = arith.constant 0 : index
    %get3A_96 = arith.constant 1152 : index
    %get3A_97 = arith.constant 0 : index
    %get3A_98 = vector.load %arg1[%get3A_95, %get3A_96, %get3A_97] : memref<1x4096x128xf32, #tpu.memory_space<vmem>>, vector<1x128x128xf32>
    %get3A_99 = vector.shape_cast %get3A_98 : vector<1x128x128xf32> to vector<128x128xf32>
    %transpose3A_100 = tpu.transpose %get3A_99, [1, 0] : vector<128x128xf32> -> vector<128x128xf32>
    %reshape3A_101 = vector.shape_cast %transpose3A_100 : vector<128x128xf32> to vector<2x64x128xf32>
    %swap3A_102 = arith.constant 0 : index
    %swap3A_103 = arith.constant 0 : index
    %swap3A_104 = arith.constant 1152 : index
    %swap3A_105 = vector.load %arg3[%swap3A_102, %swap3A_103, %swap3A_104] : memref<2x64x4096xf32, #tpu.memory_space<vmem>>, vector<2x64x128xf32>
    tpu.vector_store %arg3[%swap3A_102, %swap3A_103, %swap3A_104], %reshape3A_101 {strides = array<i32>} : memref<2x64x4096xf32, #tpu.memory_space<vmem>>, vector<2x64x128xf32>,
    %get3A_106 = arith.constant 0 : index
    %get3A_107 = arith.constant 1280 : index
    %get3A_108 = arith.constant 0 : index
    %get3A_109 = vector.load %arg1[%get3A_106, %get3A_107, %get3A_108] : memref<1x4096x128xf32, #tpu.memory_space<vmem>>, vector<1x128x128xf32>
    %get3A_110 = vector.shape_cast %get3A_109 : vector<1x128x128xf32> to vector<128x128xf32>
    %transpose3A_111 = tpu.transpose %get3A_110, [1, 0] : vector<128x128xf32> -> vector<128x128xf32>
    %reshape3A_112 = vector.shape_cast %transpose3A_111 : vector<128x128xf32> to vector<2x64x128xf32>
    %swap3A_113 = arith.constant 0 : index
    %swap3A_114 = arith.constant 0 : index
    %swap3A_115 = arith.constant 1280 : index
    %swap3A_116 = vector.load %arg3[%swap3A_113, %swap3A_114, %swap3A_115] : memref<2x64x4096xf32, #tpu.memory_space<vmem>>, vector<2x64x128xf32>
    tpu.vector_store %arg3[%swap3A_113, %swap3A_114, %swap3A_115], %reshape3A_112 {strides = array<i32>} : memref<2x64x4096xf32, #tpu.memory_space<vmem>>, vector<2x64x128xf32>,
    %get3A_117 = arith.constant 0 : index
    %get3A_118 = arith.constant 1408 : index
    %get3A_119 = arith.constant 0 : index
    %get3A_120 = vector.load %arg1[%get3A_117, %get3A_118, %get3A_119] : memref<1x4096x128xf32, #tpu.memory_space<vmem>>, vector<1x128x128xf32>
    %get3A_121 = vector.shape_cast %get3A_120 : vector<1x128x128xf32> to vector<128x128xf32>
    %transpose3A_122 = tpu.transpose %get3A_121, [1, 0] : vector<128x128xf32> -> vector<128x128xf32>
    %reshape3A_123 = vector.shape_cast %transpose3A_122 : vector<128x128xf32> to vector<2x64x128xf32>
    %swap3A_124 = arith.constant 0 : index
    %swap3A_125 = arith.constant 0 : index
    %swap3A_126 = arith.constant 1408 : index
    %swap3A_127 = vector.load %arg3[%swap3A_124, %swap3A_125, %swap3A_126] : memref<2x64x4096xf32, #tpu.memory_space<vmem>>, vector<2x64x128xf32>
    tpu.vector_store %arg3[%swap3A_124, %swap3A_125, %swap3A_126], %reshape3A_123 {strides = array<i32>} : memref<2x64x4096xf32, #tpu.memory_space<vmem>>, vector<2x64x128xf32>,
    %get3A_128 = arith.constant 0 : index
    %get3A_129 = arith.constant 1536 : index
    %get3A_130 = arith.constant 0 : index
    %get3A_131 = vector.load %arg1[%get3A_128, %get3A_129, %get3A_130] : memref<1x4096x128xf32, #tpu.memory_space<vmem>>, vector<1x128x128xf32>
    %get3A_132 = vector.shape_cast %get3A_131 : vector<1x128x128xf32> to vector<128x128xf32>
    %transpose3A_133 = tpu.transpose %get3A_132, [1, 0] : vector<128x128xf32> -> vector<128x128xf32>
    %reshape3A_134 = vector.shape_cast %transpose3A_133 : vector<128x128xf32> to vector<2x64x128xf32>
    %swap3A_135 = arith.constant 0 : index
    %swap3A_136 = arith.constant 0 : index
    %swap3A_137 = arith.constant 1536 : index
    %swap3A_138 = vector.load %arg3[%swap3A_135, %swap3A_136, %swap3A_137] : memref<2x64x4096xf32, #tpu.memory_space<vmem>>, vector<2x64x128xf32>
    tpu.vector_store %arg3[%swap3A_135, %swap3A_136, %swap3A_137], %reshape3A_134 {strides = array<i32>} : memref<2x64x4096xf32, #tpu.memory_space<vmem>>, vector<2x64x128xf32>,
    %get3A_139 = arith.constant 0 : index
    %get3A_140 = arith.constant 1664 : index
    %get3A_141 = arith.constant 0 : index
    %get3A_142 = vector.load %arg1[%get3A_139, %get3A_140, %get3A_141] : memref<1x4096x128xf32, #tpu.memory_space<vmem>>, vector<1x128x128xf32>
    %get3A_143 = vector.shape_cast %get3A_142 : vector<1x128x128xf32> to vector<128x128xf32>
    %transpose3A_144 = tpu.transpose %get3A_143, [1, 0] : vector<128x128xf32> -> vector<128x128xf32>
    %reshape3A_145 = vector.shape_cast %transpose3A_144 : vector<128x128xf32> to vector<2x64x128xf32>
    %swap3A_146 = arith.constant 0 : index
    %swap3A_147 = arith.constant 0 : index
    %swap3A_148 = arith.constant 1664 : index
    %swap3A_149 = vector.load %arg3[%swap3A_146, %swap3A_147, %swap3A_148] : memref<2x64x4096xf32, #tpu.memory_space<vmem>>, vector<2x64x128xf32>
    tpu.vector_store %arg3[%swap3A_146, %swap3A_147, %swap3A_148], %reshape3A_145 {strides = array<i32>} : memref<2x64x4096xf32, #tpu.memory_space<vmem>>, vector<2x64x128xf32>,
    %get3A_150 = arith.constant 0 : index
    %get3A_151 = arith.constant 1792 : index
    %get3A_152 = arith.constant 0 : index
    %get3A_153 = vector.load %arg1[%get3A_150, %get3A_151, %get3A_152] : memref<1x4096x128xf32, #tpu.memory_space<vmem>>, vector<1x128x128xf32>
    %get3A_154 = vector.shape_cast %get3A_153 : vector<1x128x128xf32> to vector<128x128xf32>
    %transpose3A_155 = tpu.transpose %get3A_154, [1, 0] : vector<128x128xf32> -> vector<128x128xf32>
    %reshape3A_156 = vector.shape_cast %transpose3A_155 : vector<128x128xf32> to vector<2x64x128xf32>
    %swap3A_157 = arith.constant 0 : index
    %swap3A_158 = arith.constant 0 : index
    %swap3A_159 = arith.constant 1792 : index
    %swap3A_160 = vector.load %arg3[%swap3A_157, %swap3A_158, %swap3A_159] : memref<2x64x4096xf32, #tpu.memory_space<vmem>>, vector<2x64x128xf32>
    tpu.vector_store %arg3[%swap3A_157, %swap3A_158, %swap3A_159], %reshape3A_156 {strides = array<i32>} : memref<2x64x4096xf32, #tpu.memory_space<vmem>>, vector<2x64x128xf32>,
    %get3A_161 = arith.constant 0 : index
    %get3A_162 = arith.constant 1920 : index
    %get3A_163 = arith.constant 0 : index
    %get3A_164 = vector.load %arg1[%get3A_161, %get3A_162, %get3A_163] : memref<1x4096x128xf32, #tpu.memory_space<vmem>>, vector<1x128x128xf32>
    %get3A_165 = vector.shape_cast %get3A_164 : vector<1x128x128xf32> to vector<128x128xf32>
    %transpose3A_166 = tpu.transpose %get3A_165, [1, 0] : vector<128x128xf32> -> vector<128x128xf32>
    %reshape3A_167 = vector.shape_cast %transpose3A_166 : vector<128x128xf32> to vector<2x64x128xf32>
    %swap3A_168 = arith.constant 0 : index
    %swap3A_169 = arith.constant 0 : index
    %swap3A_170 = arith.constant 1920 : index
    %swap3A_171 = vector.load %arg3[%swap3A_168, %swap3A_169, %swap3A_170] : memref<2x64x4096xf32, #tpu.memory_space<vmem>>, vector<2x64x128xf32>
    tpu.vector_store %arg3[%swap3A_168, %swap3A_169, %swap3A_170], %reshape3A_167 {strides = array<i32>} : memref<2x64x4096xf32, #tpu.memory_space<vmem>>, vector<2x64x128xf32>,
    %get3A_172 = arith.constant 0 : index
    %get3A_173 = arith.constant 2048 : index
    %get3A_174 = arith.constant 0 : index
    %get3A_175 = vector.load %arg1[%get3A_172, %get3A_173, %get3A_174] : memref<1x4096x128xf32, #tpu.memory_space<vmem>>, vector<1x128x128xf32>
    %get3A_176 = vector.shape_cast %get3A_175 : vector<1x128x128xf32> to vector<128x128xf32>
    %transpose3A_177 = tpu.transpose %get3A_176, [1, 0] : vector<128x128xf32> -> vector<128x128xf32>
    %reshape3A_178 = vector.shape_cast %transpose3A_177 : vector<128x128xf32> to vector<2x64x128xf32>
    %swap3A_179 = arith.constant 0 : index
    %swap3A_180 = arith.constant 0 : index
    %swap3A_181 = arith.constant 2048 : index
    %swap3A_182 = vector.load %arg3[%swap3A_179, %swap3A_180, %swap3A_181] : memref<2x64x4096xf32, #tpu.memory_space<vmem>>, vector<2x64x128xf32>
    tpu.vector_store %arg3[%swap3A_179, %swap3A_180, %swap3A_181], %reshape3A_178 {strides = array<i32>} : memref<2x64x4096xf32, #tpu.memory_space<vmem>>, vector<2x64x128xf32>,
    %get3A_183 = arith.constant 0 : index
    %get3A_184 = arith.constant 2176 : index
    %get3A_185 = arith.constant 0 : index
    %get3A_186 = vector.load %arg1[%get3A_183, %get3A_184, %get3A_185] : memref<1x4096x128xf32, #tpu.memory_space<vmem>>, vector<1x128x128xf32>
    %get3A_187 = vector.shape_cast %get3A_186 : vector<1x128x128xf32> to vector<128x128xf32>
    %transpose3A_188 = tpu.transpose %get3A_187, [1, 0] : vector<128x128xf32> -> vector<128x128xf32>
    %reshape3A_189 = vector.shape_cast %transpose3A_188 : vector<128x128xf32> to vector<2x64x128xf32>
    %swap3A_190 = arith.constant 0 : index
    %swap3A_191 = arith.constant 0 : index
    %swap3A_192 = arith.constant 2176 : index
    %swap3A_193 = vector.load %arg3[%swap3A_190, %swap3A_191, %swap3A_192] : memref<2x64x4096xf32, #tpu.memory_space<vmem>>, vector<2x64x128xf32>
    tpu.vector_store %arg3[%swap3A_190, %swap3A_191, %swap3A_192], %reshape3A_189 {strides = array<i32>} : memref<2x64x4096xf32, #tpu.memory_space<vmem>>, vector<2x64x128xf32>,
    %get3A_194 = arith.constant 0 : index
    %get3A_195 = arith.constant 2304 : index
    %get3A_196 = arith.constant 0 : index
    %get3A_197 = vector.load %arg1[%get3A_194, %get3A_195, %get3A_196] : memref<1x4096x128xf32, #tpu.memory_space<vmem>>, vector<1x128x128xf32>
    %get3A_198 = vector.shape_cast %get3A_197 : vector<1x128x128xf32> to vector<128x128xf32>
    %transpose3A_199 = tpu.transpose %get3A_198, [1, 0] : vector<128x128xf32> -> vector<128x128xf32>
    %reshape3A_200 = vector.shape_cast %transpose3A_199 : vector<128x128xf32> to vector<2x64x128xf32>
    %swap3A_201 = arith.constant 0 : index
    %swap3A_202 = arith.constant 0 : index
    %swap3A_203 = arith.constant 2304 : index
    %swap3A_204 = vector.load %arg3[%swap3A_201, %swap3A_202, %swap3A_203] : memref<2x64x4096xf32, #tpu.memory_space<vmem>>, vector<2x64x128xf32>
    tpu.vector_store %arg3[%swap3A_201, %swap3A_202, %swap3A_203], %reshape3A_200 {strides = array<i32>} : memref<2x64x4096xf32, #tpu.memory_space<vmem>>, vector<2x64x128xf32>,
    %get3A_205 = arith.constant 0 : index
    %get3A_206 = arith.constant 2432 : index
    %get3A_207 = arith.constant 0 : index
    %get3A_208 = vector.load %arg1[%get3A_205, %get3A_206, %get3A_207] : memref<1x4096x128xf32, #tpu.memory_space<vmem>>, vector<1x128x128xf32>
    %get3A_209 = vector.shape_cast %get3A_208 : vector<1x128x128xf32> to vector<128x128xf32>
    %transpose3A_210 = tpu.transpose %get3A_209, [1, 0] : vector<128x128xf32> -> vector<128x128xf32>
    %reshape3A_211 = vector.shape_cast %transpose3A_210 : vector<128x128xf32> to vector<2x64x128xf32>
    %swap3A_212 = arith.constant 0 : index
    %swap3A_213 = arith.constant 0 : index
    %swap3A_214 = arith.constant 2432 : index
    %swap3A_215 = vector.load %arg3[%swap3A_212, %swap3A_213, %swap3A_214] : memref<2x64x4096xf32, #tpu.memory_space<vmem>>, vector<2x64x128xf32>
    tpu.vector_store %arg3[%swap3A_212, %swap3A_213, %swap3A_214], %reshape3A_211 {strides = array<i32>} : memref<2x64x4096xf32, #tpu.memory_space<vmem>>, vector<2x64x128xf32>,
    %get3A_216 = arith.constant 0 : index
    %get3A_217 = arith.constant 2560 : index
    %get3A_218 = arith.constant 0 : index
    %get3A_219 = vector.load %arg1[%get3A_216, %get3A_217, %get3A_218] : memref<1x4096x128xf32, #tpu.memory_space<vmem>>, vector<1x128x128xf32>
    %get3A_220 = vector.shape_cast %get3A_219 : vector<1x128x128xf32> to vector<128x128xf32>
    %transpose3A_221 = tpu.transpose %get3A_220, [1, 0] : vector<128x128xf32> -> vector<128x128xf32>
    %reshape3A_222 = vector.shape_cast %transpose3A_221 : vector<128x128xf32> to vector<2x64x128xf32>
    %swap3A_223 = arith.constant 0 : index
    %swap3A_224 = arith.constant 0 : index
    %swap3A_225 = arith.constant 2560 : index
    %swap3A_226 = vector.load %arg3[%swap3A_223, %swap3A_224, %swap3A_225] : memref<2x64x4096xf32, #tpu.memory_space<vmem>>, vector<2x64x128xf32>
    tpu.vector_store %arg3[%swap3A_223, %swap3A_224, %swap3A_225], %reshape3A_222 {strides = array<i32>} : memref<2x64x4096xf32, #tpu.memory_space<vmem>>, vector<2x64x128xf32>,
    %get3A_227 = arith.constant 0 : index
    %get3A_228 = arith.constant 2688 : index
    %get3A_229 = arith.constant 0 : index
    %get3A_230 = vector.load %arg1[%get3A_227, %get3A_228, %get3A_229] : memref<1x4096x128xf32, #tpu.memory_space<vmem>>, vector<1x128x128xf32>
    %get3A_231 = vector.shape_cast %get3A_230 : vector<1x128x128xf32> to vector<128x128xf32>
    %transpose3A_232 = tpu.transpose %get3A_231, [1, 0] : vector<128x128xf32> -> vector<128x128xf32>
    %reshape3A_233 = vector.shape_cast %transpose3A_232 : vector<128x128xf32> to vector<2x64x128xf32>
    %swap3A_234 = arith.constant 0 : index
    %swap3A_235 = arith.constant 0 : index
    %swap3A_236 = arith.constant 2688 : index
    %swap3A_237 = vector.load %arg3[%swap3A_234, %swap3A_235, %swap3A_236] : memref<2x64x4096xf32, #tpu.memory_space<vmem>>, vector<2x64x128xf32>
    tpu.vector_store %arg3[%swap3A_234, %swap3A_235, %swap3A_236], %reshape3A_233 {strides = array<i32>} : memref<2x64x4096xf32, #tpu.memory_space<vmem>>, vector<2x64x128xf32>,
    %get3A_238 = arith.constant 0 : index
    %get3A_239 = arith.constant 2816 : index
    %get3A_240 = arith.constant 0 : index
    %get3A_241 = vector.load %arg1[%get3A_238, %get3A_239, %get3A_240] : memref<1x4096x128xf32, #tpu.memory_space<vmem>>, vector<1x128x128xf32>
    %get3A_242 = vector.shape_cast %get3A_241 : vector<1x128x128xf32> to vector<128x128xf32>
    %transpose3A_243 = tpu.transpose %get3A_242, [1, 0] : vector<128x128xf32> -> vector<128x128xf32>
    %reshape3A_244 = vector.shape_cast %transpose3A_243 : vector<128x128xf32> to vector<2x64x128xf32>
    %swap3A_245 = arith.constant 0 : index
    %swap3A_246 = arith.constant 0 : index
    %swap3A_247 = arith.constant 2816 : index
    %swap3A_248 = vector.load %arg3[%swap3A_245, %swap3A_246, %swap3A_247] : memref<2x64x4096xf32, #tpu.memory_space<vmem>>, vector<2x64x128xf32>
    tpu.vector_store %arg3[%swap3A_245, %swap3A_246, %swap3A_247], %reshape3A_244 {strides = array<i32>} : memref<2x64x4096xf32, #tpu.memory_space<vmem>>, vector<2x64x128xf32>,
    %get3A_249 = arith.constant 0 : index
    %get3A_250 = arith.constant 2944 : index
    %get3A_251 = arith.constant 0 : index
    %get3A_252 = vector.load %arg1[%get3A_249, %get3A_250, %get3A_251] : memref<1x4096x128xf32, #tpu.memory_space<vmem>>, vector<1x128x128xf32>
    %get3A_253 = vector.shape_cast %get3A_252 : vector<1x128x128xf32> to vector<128x128xf32>
    %transpose3A_254 = tpu.transpose %get3A_253, [1, 0] : vector<128x128xf32> -> vector<128x128xf32>
    %reshape3A_255 = vector.shape_cast %transpose3A_254 : vector<128x128xf32> to vector<2x64x128xf32>
    %swap3A_256 = arith.constant 0 : index
    %swap3A_257 = arith.constant 0 : index
    %swap3A_258 = arith.constant 2944 : index
    %swap3A_259 = vector.load %arg3[%swap3A_256, %swap3A_257, %swap3A_258] : memref<2x64x4096xf32, #tpu.memory_space<vmem>>, vector<2x64x128xf32>
    tpu.vector_store %arg3[%swap3A_256, %swap3A_257, %swap3A_258], %reshape3A_255 {strides = array<i32>} : memref<2x64x4096xf32, #tpu.memory_space<vmem>>, vector<2x64x128xf32>,
    %get3A_260 = arith.constant 0 : index
    %get3A_261 = arith.constant 3072 : index
    %get3A_262 = arith.constant 0 : index
    %get3A_263 = vector.load %arg1[%get3A_260, %get3A_261, %get3A_262] : memref<1x4096x128xf32, #tpu.memory_space<vmem>>, vector<1x128x128xf32>
    %get3A_264 = vector.shape_cast %get3A_263 : vector<1x128x128xf32> to vector<128x128xf32>
    %transpose3A_265 = tpu.transpose %get3A_264, [1, 0] : vector<128x128xf32> -> vector<128x128xf32>
    %reshape3A_266 = vector.shape_cast %transpose3A_265 : vector<128x128xf32> to vector<2x64x128xf32>
    %swap3A_267 = arith.constant 0 : index
    %swap3A_268 = arith.constant 0 : index
    %swap3A_269 = arith.constant 3072 : index
    %swap3A_270 = vector.load %arg3[%swap3A_267, %swap3A_268, %swap3A_269] : memref<2x64x4096xf32, #tpu.memory_space<vmem>>, vector<2x64x128xf32>
    tpu.vector_store %arg3[%swap3A_267, %swap3A_268, %swap3A_269], %reshape3A_266 {strides = array<i32>} : memref<2x64x4096xf32, #tpu.memory_space<vmem>>, vector<2x64x128xf32>,
    %get3A_271 = arith.constant 0 : index
    %get3A_272 = arith.constant 3200 : index
    %get3A_273 = arith.constant 0 : index
    %get3A_274 = vector.load %arg1[%get3A_271, %get3A_272, %get3A_273] : memref<1x4096x128xf32, #tpu.memory_space<vmem>>, vector<1x128x128xf32>
    %get3A_275 = vector.shape_cast %get3A_274 : vector<1x128x128xf32> to vector<128x128xf32>
    %transpose3A_276 = tpu.transpose %get3A_275, [1, 0] : vector<128x128xf32> -> vector<128x128xf32>
    %reshape3A_277 = vector.shape_cast %transpose3A_276 : vector<128x128xf32> to vector<2x64x128xf32>
    %swap3A_278 = arith.constant 0 : index
    %swap3A_279 = arith.constant 0 : index
    %swap3A_280 = arith.constant 3200 : index
    %swap3A_281 = vector.load %arg3[%swap3A_278, %swap3A_279, %swap3A_280] : memref<2x64x4096xf32, #tpu.memory_space<vmem>>, vector<2x64x128xf32>
    tpu.vector_store %arg3[%swap3A_278, %swap3A_279, %swap3A_280], %reshape3A_277 {strides = array<i32>} : memref<2x64x4096xf32, #tpu.memory_space<vmem>>, vector<2x64x128xf32>,
    %get3A_282 = arith.constant 0 : index
    %get3A_283 = arith.constant 3328 : index
    %get3A_284 = arith.constant 0 : index
    %get3A_285 = vector.load %arg1[%get3A_282, %get3A_283, %get3A_284] : memref<1x4096x128xf32, #tpu.memory_space<vmem>>, vector<1x128x128xf32>
    %get3A_286 = vector.shape_cast %get3A_285 : vector<1x128x128xf32> to vector<128x128xf32>
    %transpose3A_287 = tpu.transpose %get3A_286, [1, 0] : vector<128x128xf32> -> vector<128x128xf32>
    %reshape3A_288 = vector.shape_cast %transpose3A_287 : vector<128x128xf32> to vector<2x64x128xf32>
    %swap3A_289 = arith.constant 0 : index
    %swap3A_290 = arith.constant 0 : index
    %swap3A_291 = arith.constant 3328 : index
    %swap3A_292 = vector.load %arg3[%swap3A_289, %swap3A_290, %swap3A_291] : memref<2x64x4096xf32, #tpu.memory_space<vmem>>, vector<2x64x128xf32>
    tpu.vector_store %arg3[%swap3A_289, %swap3A_290, %swap3A_291], %reshape3A_288 {strides = array<i32>} : memref<2x64x4096xf32, #tpu.memory_space<vmem>>, vector<2x64x128xf32>,
    %get3A_293 = arith.constant 0 : index
    %get3A_294 = arith.constant 3456 : index
    %get3A_295 = arith.constant 0 : index
    %get3A_296 = vector.load %arg1[%get3A_293, %get3A_294, %get3A_295] : memref<1x4096x128xf32, #tpu.memory_space<vmem>>, vector<1x128x128xf32>
    %get3A_297 = vector.shape_cast %get3A_296 : vector<1x128x128xf32> to vector<128x128xf32>
    %transpose3A_298 = tpu.transpose %get3A_297, [1, 0] : vector<128x128xf32> -> vector<128x128xf32>
    %reshape3A_299 = vector.shape_cast %transpose3A_298 : vector<128x128xf32> to vector<2x64x128xf32>
    %swap3A_300 = arith.constant 0 : index
    %swap3A_301 = arith.constant 0 : index
    %swap3A_302 = arith.constant 3456 : index
    %swap3A_303 = vector.load %arg3[%swap3A_300, %swap3A_301, %swap3A_302] : memref<2x64x4096xf32, #tpu.memory_space<vmem>>, vector<2x64x128xf32>
    tpu.vector_store %arg3[%swap3A_300, %swap3A_301, %swap3A_302], %reshape3A_299 {strides = array<i32>} : memref<2x64x4096xf32, #tpu.memory_space<vmem>>, vector<2x64x128xf32>,
    %get3A_304 = arith.constant 0 : index
    %get3A_305 = arith.constant 3584 : index
    %get3A_306 = arith.constant 0 : index
    %get3A_307 = vector.load %arg1[%get3A_304, %get3A_305, %get3A_306] : memref<1x4096x128xf32, #tpu.memory_space<vmem>>, vector<1x128x128xf32>
    %get3A_308 = vector.shape_cast %get3A_307 : vector<1x128x128xf32> to vector<128x128xf32>
    %transpose3A_309 = tpu.transpose %get3A_308, [1, 0] : vector<128x128xf32> -> vector<128x128xf32>
    %reshape3A_310 = vector.shape_cast %transpose3A_309 : vector<128x128xf32> to vector<2x64x128xf32>
    %swap3A_311 = arith.constant 0 : index
    %swap3A_312 = arith.constant 0 : index
    %swap3A_313 = arith.constant 3584 : index
    %swap3A_314 = vector.load %arg3[%swap3A_311, %swap3A_312, %swap3A_313] : memref<2x64x4096xf32, #tpu.memory_space<vmem>>, vector<2x64x128xf32>
    tpu.vector_store %arg3[%swap3A_311, %swap3A_312, %swap3A_313], %reshape3A_310 {strides = array<i32>} : memref<2x64x4096xf32, #tpu.memory_space<vmem>>, vector<2x64x128xf32>,
    %get3A_315 = arith.constant 0 : index
    %get3A_316 = arith.constant 3712 : index
    %get3A_317 = arith.constant 0 : index
    %get3A_318 = vector.load %arg1[%get3A_315, %get3A_316, %get3A_317] : memref<1x4096x128xf32, #tpu.memory_space<vmem>>, vector<1x128x128xf32>
    %get3A_319 = vector.shape_cast %get3A_318 : vector<1x128x128xf32> to vector<128x128xf32>
    %transpose3A_320 = tpu.transpose %get3A_319, [1, 0] : vector<128x128xf32> -> vector<128x128xf32>
    %reshape3A_321 = vector.shape_cast %transpose3A_320 : vector<128x128xf32> to vector<2x64x128xf32>
    %swap3A_322 = arith.constant 0 : index
    %swap3A_323 = arith.constant 0 : index
    %swap3A_324 = arith.constant 3712 : index
    %swap3A_325 = vector.load %arg3[%swap3A_322, %swap3A_323, %swap3A_324] : memref<2x64x4096xf32, #tpu.memory_space<vmem>>, vector<2x64x128xf32>
    tpu.vector_store %arg3[%swap3A_322, %swap3A_323, %swap3A_324], %reshape3A_321 {strides = array<i32>} : memref<2x64x4096xf32, #tpu.memory_space<vmem>>, vector<2x64x128xf32>,
    %get3A_326 = arith.constant 0 : index
    %get3A_327 = arith.constant 3840 : index
    %get3A_328 = arith.constant 0 : index
    %get3A_329 = vector.load %arg1[%get3A_326, %get3A_327, %get3A_328] : memref<1x4096x128xf32, #tpu.memory_space<vmem>>, vector<1x128x128xf32>
    %get3A_330 = vector.shape_cast %get3A_329 : vector<1x128x128xf32> to vector<128x128xf32>
    %transpose3A_331 = tpu.transpose %get3A_330, [1, 0] : vector<128x128xf32> -> vector<128x128xf32>
    %reshape3A_332 = vector.shape_cast %transpose3A_331 : vector<128x128xf32> to vector<2x64x128xf32>
    %swap3A_333 = arith.constant 0 : index
    %swap3A_334 = arith.constant 0 : index
    %swap3A_335 = arith.constant 3840 : index
    %swap3A_336 = vector.load %arg3[%swap3A_333, %swap3A_334, %swap3A_335] : memref<2x64x4096xf32, #tpu.memory_space<vmem>>, vector<2x64x128xf32>
    tpu.vector_store %arg3[%swap3A_333, %swap3A_334, %swap3A_335], %reshape3A_332 {strides = array<i32>} : memref<2x64x4096xf32, #tpu.memory_space<vmem>>, vector<2x64x128xf32>,
    %get3A_337 = arith.constant 0 : index
    %get3A_338 = arith.constant 3968 : index
    %get3A_339 = arith.constant 0 : index
    %get3A_340 = vector.load %arg1[%get3A_337, %get3A_338, %get3A_339] : memref<1x4096x128xf32, #tpu.memory_space<vmem>>, vector<1x128x128xf32>
    %get3A_341 = vector.shape_cast %get3A_340 : vector<1x128x128xf32> to vector<128x128xf32>
    %transpose3A_342 = tpu.transpose %get3A_341, [1, 0] : vector<128x128xf32> -> vector<128x128xf32>
    %reshape3A_343 = vector.shape_cast %transpose3A_342 : vector<128x128xf32> to vector<2x64x128xf32>
    %swap3A_344 = arith.constant 0 : index
    %swap3A_345 = arith.constant 0 : index
    %swap3A_346 = arith.constant 3968 : index
    %swap3A_347 = vector.load %arg3[%swap3A_344, %swap3A_345, %swap3A_346] : memref<2x64x4096xf32, #tpu.memory_space<vmem>>, vector<2x64x128xf32>
    tpu.vector_store %arg3[%swap3A_344, %swap3A_345, %swap3A_346], %reshape3A_343 {strides = array<i32>} : memref<2x64x4096xf32, #tpu.memory_space<vmem>>, vector<2x64x128xf32>,
    return
  }
  func.func @transform_0(%arg0: i32) -> (i32, i32, i32) {
    %c0_i32 = arith.constant 0 : i32
    %c0_i32_0 = arith.constant 0 : i32
    %c0_i32_1 = arith.constant 0 : i32
    return %arg0, %c0_i32, %c0_i32_0 : i32, i32, i32
  }
  func.func @transform_2(%arg0: i32) -> (i32, i32, i32) {
    %add3A = arith.constant 50 : i32
    %add3A_0 = arith.addi %add3A, %arg0 : i32
    %c0_i32 = arith.constant 0 : i32
    %c0_i32_1 = arith.constant 0 : i32
    %c0_i32_2 = arith.constant 0 : i32
    return %add3A_0, %c0_i32, %c0_i32_1 : i32, i32, i32
  }
}

</mosaic_0001>

<sc_bundles>
// kernel: kernel.12.cloned.1.call-start
scs
__scs_entry_jumppad:
0x0: {  	(pc) =	sbr.rel $0x88, $3  }
0x1: {  	(tag) =	ssettag $0x0;
	lr =	simm.s32 $0x1  }
0x2: {  	[smem:$0x3F9D] =	sst lr;
	_ =	strace $0xD0000000  }
0x3: {  	_ = 	snop  }
0x4: {  	_ = 	snop  }
0x5: {  	_ = 	snop  }
0x6: {  	_ = 	snop  }
0x7: {  	_ = 	snop  }
__scs_overlays_trampoline_lowered:
0x8: {  	[smem:$0x3FAC] =	sst s0  }
0x9: {  	[smem:$0x3FAD] =	sst s1  }
0xa: {  	[smem:$0x3FAE] =	sst s2  }
0xb: {  	[smem:$0x3FAF] =	sst s3  }
0xc: {  	[smem:$0x3FB0] =	sst s4  }
0xd: {  	[smem:$0x3FB1] =	sst s5  }
0xe: {  	[smem:$0x3FB2] =	sst s6  }
0xf: {  	[smem:$0x3FB3] =	sst s7  }
0x10: {  	[smem:$0x3FB4] =	sst s8  }
0x11: {  	[smem:$0x3FB5] =	sst s9;
	s0 =	simm.s32 @!p0 $0x0  }
0x12: {  	s1 =	sld [smem:$0x3F9B];
	s0 =	simm.s32 @p0 $0x1  }
0x13: {  	[smem:$0x3FB6] =	sst s0;
	s0 =	simm.s32 @!p1 $0x0  }
0x14: {  	s2 =	sld [smem:$0x3F9A];
	s0 =	simm.s32 @p1 $0x1  }
0x15: {  	[smem:$0x3FB7] =	sst s0;
	s0 =	simm.s32 @!p2 $0x0  }
0x16: {  	s3 =	sld [smem:$0x3FDB];
	s0 =	simm.s32 @p2 $0x1  }
0x17: {  	s4 =	simm.s32 $0x1BF5;
	[smem:$0x3FB9] =	sst s0  }
0x18: {  	s0 =	sld [smem:$0x3F9C];
	_ =	swait.ge [sflag:s4], $0x0  }
0x19: {  	s7 =	sld [smem:$0x3F9D]  }
0x1a: {  	s8 =	sadd.s32 $0xFFFFE003, lr  }
0x1b: {  	s9 =	sadd.s32 $0xFFFFFEF7, lr;
	s5 =	simm.s32 $0xFFFFFFFF;
	p2 =	slt.u32 s8, $0xFFFFF086  }
0x1c: {  	p1 =	slt.u32 s9, $0xF7A;
	s5 =	simm.s32 @!p2 $0x0  }
0x1d: {  	s5 =	simm.s32 @p1 $0x1;
	p0 =	seq.s32 s7, s2  }
0x1e: {  	s7 =	smul.u32 @!p0 $0xF7A, s2;
	p2 =	seq.s32 @!p0 s5, $0x0  }
0x1f: {  	s9 =	smul.u32 $0xF7A, s1;
	s8 =	simm.s32 @!p0 $0x1BF5;
	p2 =	por !p2, p0  }
0x20: {  	[sflag:s8] =	ssyncset.s32 @!p0 $0xFFFFF086;
	s6 =	sadd.s32 @!p0 s3, s7;
	s7 =	simm.s32 @!p0 $0x108  }
0x21: {  	s3 =	sadd.s32 s3, s9;
	s6 =	sadd.s32 @!p0 $0x88, s6;
	s7 =	simm.s32 @p2 $0x1082  }
0x22: {  	[simem:s7], [sflag:s8] =	dma.local @!p0 [hbm:s6], $0xF7A  }
0x23: {  	s9 =	sor.u32 $0xD0000000, s2;
	s6 =	simm.s32 $0x108;
	_ =	swait.ge @!p0 [sflag:s8], $0x0  }
0x24: {  	s3 =	sadd.s32 $0x88, s3;
	s6 =	simm.s32 @!p1 $0x1082;
	[sflag:s4] =	ssyncset.s32 $0xFFFFF086  }
0x25: {  	[simem:s6], [sflag:s4] =	dma.local [hbm:s3], $0xF7A  }
0x26: {  	[smem:$0x3F9D] =	sst s1;
	(tag) =	ssettag s2;
	_ =	strace s9  }
0x27: {  	s1 =	sld [smem:$0x3FAD]  }
0x28: {  	s2 =	sld [smem:$0x3FAE]  }
0x29: {  	s4 =	sld [smem:$0x3FB0]  }
0x2a: {  	p0 =	seq.s32 s5, $0x0;
	s5 =	sld [smem:$0x3FB1]  }
0x2b: {  	s6 =	sld [smem:$0x3FB2]  }
0x2c: {  	s7 =	sld [smem:$0x3FB3]  }
0x2d: {  	s3 =	simm.s32 $0x108;
	s8 =	sld [smem:$0x3FB4]  }
0x2e: {  	s3 =	simm.s32 @!p0 $0x1082;
	s9 =	sld [smem:$0x3FB5]  }
0x2f: {  	lr =	sadd.s32 s0, s3;
	s0 =	sld [smem:$0x3FAC]  }
0x30: {  	s3 =	sld [smem:$0x3FAF]  }
0x31: {  	[smem:$0x3FB8] =	sst s10  }
0x32: {  	s10 =	sld [smem:$0x3FB6];
	_ =	sdelay $0x3  }
0x33: {  	p0 =	seq.s32 s10, $0x1;
	s10 =	sld [smem:$0x3FB8];
	_ =	sdelay $0x3  }
0x34: {  	[smem:$0x3FB8] =	sst s10  }
0x35: {  	s10 =	sld [smem:$0x3FB7];
	_ =	sdelay $0x3  }
0x36: {  	p1 =	seq.s32 s10, $0x1;
	s10 =	sld [smem:$0x3FB8];
	_ =	sdelay $0x3  }
0x37: {  	[smem:$0x3FB8] =	sst s10  }
0x38: {  	s10 =	sld [smem:$0x3FB9]  }
0x39: {  	_ = 	snop;
	(pc) =	sbr.ind lr, $3  }
0x3a: {  	_ = 	snop  }
0x3b: {  	_ = 	snop  }
0x3c: {  	p2 =	seq.s32 s10, $0x1;
	s10 =	sld [smem:$0x3FB8]  }
0x3d: {  	_ =	shalt  }
0x3e: {  	_ =	shalt  }
0x3f: {  	_ =	shalt  }
0x40: {  	_ =	shalt  }
0x41: {  	_ =	shalt  }
0x42: {  	_ =	shalt  }
0x43: {  	_ =	shalt  }
0x44: {  	_ =	shalt  }
0x45: {  	_ =	shalt  }
0x46: {  	_ =	shalt  }
0x47: {  	_ =	shalt  }
0x48: {  	_ =	shalt  }
0x49: {  	_ =	shalt  }
0x4a: {  	_ =	shalt  }
0x4b: {  	_ =	shalt  }
0x4c: {  	_ =	shalt  }
0x4d: {  	_ =	shalt  }
0x4e: {  	_ =	shalt  }
0x4f: {  	_ =	shalt  }
0x50: {  	_ =	shalt  }
0x51: {  	_ =	shalt  }
0x52: {  	_ =	shalt  }
0x53: {  	_ =	shalt  }
0x54: {  	_ =	shalt  }
0x55: {  	_ =	shalt  }
0x56: {  	_ =	shalt  }
0x57: {  	_ =	shalt  }
0x58: {  	_ =	shalt  }
0x59: {  	_ =	shalt  }
0x5a: {  	_ =	shalt  }
0x5b: {  	_ =	shalt  }
0x5c: {  	_ =	shalt  }
0x5d: {  	_ =	shalt  }
0x5e: {  	_ =	shalt  }
0x5f: {  	_ =	shalt  }
0x60: {  	_ =	shalt  }
0x61: {  	_ =	shalt  }
0x62: {  	_ =	shalt  }
0x63: {  	_ =	shalt  }
0x64: {  	_ =	shalt  }
0x65: {  	_ =	shalt  }
0x66: {  	_ =	shalt  }
0x67: {  	_ =	shalt  }
0x68: {  	_ =	shalt  }
0x69: {  	_ =	shalt  }
0x6a: {  	_ =	shalt  }
0x6b: {  	_ =	shalt  }
0x6c: {  	_ =	shalt  }
0x6d: {  	_ =	shalt  }
0x6e: {  	_ =	shalt  }
0x6f: {  	_ =	shalt  }
0x70: {  	_ =	shalt  }
0x71: {  	_ =	shalt  }
0x72: {  	_ =	shalt  }
0x73: {  	_ =	shalt  }
0x74: {  	_ =	shalt  }
0x75: {  	_ =	shalt  }
0x76: {  	_ =	shalt  }
0x77: {  	_ =	shalt  }
0x78: {  	_ =	shalt  }
0x79: {  	_ =	shalt  }
0x7a: {  	_ =	shalt  }
0x7b: {  	_ =	shalt  }
0x7c: {  	_ =	shalt  }
0x7d: {  	_ =	shalt  }
0x7e: {  	_ =	shalt  }
0x7f: {  	_ =	shalt  }
0x80: {  	_ =	shalt  }
0x81: {  	_ =	shalt  }
0x82: {  	_ =	shalt  }
0x83: {  	_ =	shalt  }
0x84: {  	_ =	shalt  }
0x85: {  	_ =	shalt  }
0x86: {  	_ =	shalt  }
0x87: {  	_ =	shalt  }
.Lfunc_end0:
.L_simem_size_0:
called_computation.1_lowered:
.L_overlay_start_0:
0x88: {  	s2 =	sld [smem:$0x3FD9]  }
0x89: {  	s3 =	sld [smem:$0x3FFE];
	_ =	sdelay $0x1  }
0x8a: {  	s1 =	srdreg.scid  }
0x8b: {  	s0 =	sand.u32 $0x1, s1  }
0x8c: {  	s17 =	sshll.u32 s0, $0xA;
	s2 =	sadd.s32 s3, s2  }
0x8d: {  	s2 =	sadd.s32 s2, s17  }
0x8e: {  	[smem:$0x3FC4] =	sst s2  }
0x8f: {  	_ = 	snop  }
0x90: {  	(tm) =	ssettm $0x1  }
0x91: {  	s18 =	sld [smem:$0x3FFB];
	_ =	sdelay $0x3  }
0x92: {  	_ =	strace s18  }
0x93: {  	s2 =	sld [smem:$0x3FFC];
	_ =	sdelay $0x3  }
0x94: {  	_ =	strace s2  }
0x95: {  	s2 =	sld [smem:$0x3FFD];
	_ =	sdelay $0x3  }
0x96: {  	_ =	strace s2  }
0x97: {  	_ =	strace $0x8FFFFFFF  }
0x98: {  	s19 =	sld [smem:$0x3FDB];
	_ =	sdelay $0x1  }
0x99: {  	s20 =	simm.s32 $_scs_section_size  }
0x9a: {  	s4 =	simm.s32 $_size__tile_overlayer_lowered;
	s5 =	simm.s32 $_tile_overlayer_lowered  }
0x9b: {  	s6 =	simm.s32 $0x1BFF;
	s21 =	sshll.u32 s5, $0x1;
	s3 =	sadd.s32 s20, s19  }
0x9c: {  	s22 =	simm.s32 $0x0;
	s4 =	sshll.u32 s4, $0x1;
	s5 =	sadd.s32 s21, s3  }
0x9d: {  	[timem:s22], [sflag:s6] =	dma.local [hbm:s5], s4  }
0x9e: {  	_ =	swait.ge [sflag:s6], s4  }
0x9f: {  	s4 =	ssub.s32 $0x0, s4;
	[sflag:s6] =	ssyncset.done $0x0  }
0xa0: {  	[sflag:s6] =	ssyncadd.s32 s4;
	_ =	sdelay $0x1  }
0xa1: {  	s23 =	simm.s32 $0x1B8B  }
0xa2: {  	_ =	swait.ge [sflag:s23], $0x1  }
0xa3: {  	[sflag:s23] =	ssyncset.done $0x0  }
0xa4: {  	[sflag:s23] =	ssyncadd.s32 $0xFFFFFFFF  }
0xa5: {  	s4 =	sld [smem:$0x0]  }
0xa6: {  	s5 =	sand.u32 $0xFFFFFFFE, s1  }
0xa7: {  	p0 =	sne.s32 s1, s5  }
0xa8: {  	s5 =	sshll.u32 @p0 s5, $0xE  }
0xa9: {  	s5 =	sadd.s32 @p0 $0x11B8D, s5;
	s6 =	sshll.u32 @p0 s4, $0x11  }
0xaa: {  	s5 =	sor.u32 @p0 s6, s5  }
0xab: {  	[sflag:s5] =	ssyncadd.remote.s32 @p0 $0x1;
	_ =	sdelay $0x1  }
0xac: {  	s5 =	simm.s32 @p0 $0x1B8D  }
0xad: {  	_ =	swait.eq @p0 [sflag:s5], $0x1  }
0xae: {  	[sflag:s5] =	ssyncadd.s32 @p0 $0xFFFFFFFF  }
0xaf: {  	s6 =	sshll.u32 @!p0 s1, $0xE  }
0xb0: {  	s6 =	sor.u32 @!p0 $0x4000, s6;
	s5 =	simm.s32 @!p0 $0x1B8D  }
0xb1: {  	s4 =	sshll.u32 @!p0 s4, $0x11;
	s6 =	sadd.s32 @!p0 $0x11B8D, s6;
	_ =	swait.eq @!p0 [sflag:s5], $0x1  }
0xb2: {  	s4 =	sor.u32 @!p0 s4, s6;
	[sflag:s5] =	ssyncadd.s32 @!p0 $0xFFFFFFFF  }
0xb3: {  	s25 =	simm.s32 $0x1B8E;
	s24 =	sld [smem:$0x3FFE];
	[sflag:s4] =	ssyncadd.remote.s32 @!p0 $0x1  }
0xb4: {  	s26 =	simm.s32 $execute0_lowered;
	[smem:$0x3FD2] =	sst s25  }
0xb5: {  	s5 =	sshll.u32 s26, $0x1;
	_ =	strace $0x80000049;
	[dreg:$0x1] =	wrdreg $0xFFFFFFFF  }
0xb6: {  	s28 =	simm.s32 $_size_execute0_lowered;
	s3 =	sadd.s32 s3, s5;
	[dreg:$0x0] =	wrdreg $0x0  }
0xb7: {  	s5 =	sshll.u32 s28, $0x1;
	[dreg:$0x2] =	wrdreg s3  }
0xb8: {  	[dreg:$0x3] =	wrdreg s5  }
0xb9: {  	[dreg:$0x4] =	wrdreg $0xC0  }
0xba: {  	_ =	task [dreg:s22], $0x5FFFF  }
0xbb: {  	[dreg:$0x1] =	wrdreg $0xFFFFFFFF  }
0xbc: {  	[dreg:$0x0] =	wrdreg $0x60  }
0xbd: {  	[dreg:$0x2] =	wrdreg s24  }
0xbe: {  	[dreg:$0x3] =	wrdreg $0x0  }
0xbf: {  	[dreg:$0x4] =	wrdreg $0xA  }
0xc0: {  	_ =	task.clear_ibuf [dreg:s22], $0x5FFFF;
	_ =	strace $0x90000049  }
0xc1: {  	s29 =	simm.s32 $0xA;
	_ =	strace $0x8000004B  }
0xc2: {  	_ =	swait.ge [sflag:s29], $0x1  }
0xc3: {  	[sflag:s29] =	ssyncadd.s32 $0xFFFFFFFF  }
0xc4: {  	_ =	strace $0x9000004B  }
0xc5: {  	_ =	sfence  }
0xc6: {  	s30 =	sld [smem:$0x0];
	_ =	sdelay $0x2  }
0xc7: {  	s31 =	sshll.u32 s1, $0xD;
	s1 =	sshrl.u32 s1, $0x2  }
0xc8: {  	s4 =	sand.u32 $0x4000, s31;
	s1 =	sadd.s32 s1, s30  }
0xc9: {  	s0 =	sor.u32 s4, s0;
	s1 =	sshll.u32 s1, $0x11  }
0xca: {  	s0 =	sor.u32 s1, s0  }
0xcb: {  	s0 =	sadd.s32 $0x8F2B, s0  }
0xcc: {  	[sflag:s0] =	ssyncadd.remote.s32 $0x1  }
0xcd: {  	_ =	sfence.sel $0xFFFF  }
0xce: {  	[dreg:$0x0] =	wrdreg $0xFFFFFFFF;
	(pc) =	sbr.abs _section_cstart, $3  }
0xcf: {  	[dreg:$0x1] =	wrdreg $0xFFFFFFFF  }
0xd0: {  	_ =	task.clear_ibuf [dreg:s22], $0x2FFFF;
	_ =	strace $0x9FFFFFFF  }
0xd1: {  	(tm) =	ssettm $0x7FFFFFFF  }
tec
execute0_lowered:
.L_overlay_start_1:
0x0: {  	(tag) =	ssettag $0x1  }
0x1: {  	s4 =	rddreg [dreg:$0x0]  }
0x2: {  	s1 =	rddreg [dreg:$0x1]  }
0x3: {  	s3 =	srdreg.scid;
	s6 =	stileid.u32  }
0x4: {  	s2 =	simm.s32 $0x0;
	s13 =	simm.s32 $0xDC00;
	s14 =	simm.s32 $0x8100  }
0x5: {  	s15 =	simm.s32 $0x11C00;
	s16 =	simm.s32 $0x8180;
	s17 =	simm.s32 $0x15C00  }
0x6: {  	s18 =	simm.s32 $0x3;
	s19 =	simm.s32 $0x4;
	s20 =	simm.s32 $0x0  }
0x7: {  	s3 =	sand.u32 $0x1, s3;
	s5 =	smul.u32 $0x190000, s6;
	[smem:$0x7FF] =	sst s2  }
0x8: {  	s7 =	sshll.u32 s6, $0x1;
	p0 =	sne.s32 s6, $0x0;
	s8 =	smul.u32 $0xC8000, s3  }
0x9: {  	_ =	strace $0x8000004A;
	s7 =	sor.u32 s3, s7;
	s30 =	ssub.s32 $0x2, s3  }
0xa: {  	s3 =	sadd.s32 $0x1200, s4;
	s7 =	smul.u32 $0x380, s7;
	s9 =	sshrl.u32 s30, $0x1  }
0xb: {  	s5 =	sadd.s32 s8, s5;
	s31 =	ssub.s32 s30, s9;
	s8 =	simm.s32 $0x8000  }
0xc: {  	s9 =	simm.s32 $0x5;
	s5 =	sshrl.u32 s5, $0x3;
	s7 =	sadd.s32 s7, s4  }
0xd: {  	s10 =	sadd.s32 s5, s4;
	s4 =	sadd.s32 $0x331200, s7;
	s5 =	smax.u32 s31, $0x1  }
0xe: {  	s7 =	sshrl.u32 @!p0 s1, $0x3;
	s6 =	sadd.s32 $0x338200, s10;
	s10 =	simm.s32 $0x80  }
.LBB2_1:
0xf: {  	s21 =	simm.s32 @!p0 $0x1C05  }
0x10: {  	[spmem:s7], [sflag:s21] =	dma.local @!p0 [hbm:s3], $0x10000  }
0x11: {  	s21 =	simm.s32 @!p0 $0x5  }
0x12: {  	_ =	swait.ge @!p0 [sflag:s21], $0x10000  }
0x13: {  	[sflag:s21] =	ssyncset.done @!p0 $0x0  }
0x14: {  	[sflag:s21] =	ssyncadd.s32 @!p0 $0xFFFF0000  }
0x15: {  	[bflag:$0x0] =	sbarrier.arrive $0xFFFF  }
0x16: {  	[tilespmem:s8], [sflag:$0x5] =	stream.linear.gather [hbm4b:s4+s2], $0x1900, $0x38;
	[tilespmem:$0x19C00] =	vst v63  }
0x17: {  	_ =	swait.ge [sflag:s9], $0x1900  }
0x18: {  	[sflag:s9] =	ssyncset.done $0x0  }
0x19: {  	s0 =	simm.s32 $0x9C00;
	[sflag:s9] =	ssyncadd.s32 $0xFFFFE700  }
0x1a: {  	[tilespmem:s0], [sflag:$0x1] =	stream.indirect.gather [spmem:s1], $0x80, s8, s10, $0xb8;
	[tilespmem:$0x19C00] =	vst v63  }
0x1b: {  	s24 =	simm.s32 $0x8080  }
0x1c: {  	[tilespmem:s13], [sflag:$0x1] =	stream.indirect.gather [spmem:s1], $0x80, s24, s10, $0xb8;
	[tilespmem:$0x19C00] =	vst v63  }
0x1d: {  	s25 =	sand.u32 $0x1, s2  }
0x1e: {  	[tilespmem:s15], [sflag:$0x2] =	stream.indirect.gather [spmem:s1], $0x80, s14, s10, $0xb8;
	[tilespmem:$0x19C00] =	vst v63  }
0x1f: {  	s23 =	sadd.s32 $0x1, s25  }
0x20: {  	[tilespmem:s17], [sflag:$0x2] =	stream.indirect.gather [spmem:s1], $0x80, s16, s10, $0xb8;
	[tilespmem:$0x19C00] =	vst v63  }
0x21: {  	p1 =	por $0x0, $0x0;
	_ =	swait.ge [sflag:s23], $0x8000  }
0x22: {  	s22 =	simm.s32 $0x1;
	s26 =	sshll.u32 s25, $0xF;
	[sflag:s23] =	ssyncset.done $0x0  }
0x23: {  	s21 =	sadd.s32 $0x3, s25;
	s24 =	sadd.s32 $0x9C00, s26;
	[sflag:s23] =	ssyncadd.s32 $0xFFFF8000  }
0x24: {  	[hbm4b:s6+s2] =	stream.linear.scatter [tilespmem:s24], [sflag:s21], $0x8000, $0x38;
	[tilespmem:$0x19C00] =	vst v63  }
0x25: {  	s28 =	simm.s32 $0x8280;
	s29 =	simm.s32 $0x2;
	_ =	swait.ge @!p1 [sflag:s21], $0x8000  }
0x26: {  	s31 =	simm.s32 @!p1 $0x80;
	s30 =	sadd.s32 @!p1 $0xDC00, s26;
	[sflag:s21] =	ssyncset.done @!p1 $0x0  }
0x27: {  	s25 =	sand.u32 $0x1, s22;
	[sflag:s21] =	ssyncadd.s32 @!p1 $0xFFFF8000;
	s21 =	simm.s32 @!p1 $0x8200  }
0x28: {  	[tilespmem:s24], [sflag:s23] =	stream.indirect.gather @!p1 [spmem:s1], $0x80, s21, s31, $0xb8;
	[tilespmem:$0x19C00] =	vst v63  }
0x29: {  	s26 =	sadd.s32 $0x1000, s6;
	s24 =	sshll.u32 s25, $0xF;
	s21 =	simm.s32 $0x8380  }
.LBB2_2:
0x2a: {  	[tilespmem:s30], [sflag:s23] =	stream.indirect.gather @!p1 [spmem:s1], $0x80, s28, s31, $0xb8;
	[tilespmem:$0x19C00] =	vst v63  }
0x2b: {  	s30 =	smov.u32 s29;
	s28 =	smov.u32 s21  }
0x2c: {  	s29 =	sadd.s32 $0x1, s29;
	s23 =	sadd.s32 $0x1, s25;
	s31 =	sand.u32 $0x1, s30  }
0x2d: {  	p2 =	sne.s32 s29, $0x19;
	s0 =	sshll.u32 s31, $0xF;
	_ =	swait.ge [sflag:s23], $0x8000  }
0x2e: {  	p1 =	sgt.u32 s22, $0x16;
	s22 =	smov.u32 s30;
	[sflag:s23] =	ssyncset.done $0x0  }
0x2f: {  	s11 =	sadd.s32 $0x9C00, s24;
	s12 =	sadd.s32 $0x3, s25;
	[sflag:s23] =	ssyncadd.s32 $0xFFFF8000  }
0x30: {  	[hbm4b:s26+s2] =	stream.linear.scatter [tilespmem:s11], [sflag:s12], $0x8000, $0x38;
	[tilespmem:$0x19C00] =	vst v63  }
.Ltmp0:
0x31: {  	s30 =	sadd.s32 @!p1 $0xDC00, s24;
	_ =	swait.ge @!p1 [sflag:s12], $0x8000;
	(pc) =	sbr.rel @p2 .LBB2_2-.Ltmp0, $4  }
0x32: {  	s25 =	smov.u32 s31;
	s24 =	smov.u32 s0;
	[sflag:s12] =	ssyncset.done @!p1 $0x0  }
0x33: {  	s31 =	simm.s32 @!p1 $0x80;
	s0 =	sadd.s32 @!p1 $0xFFFFFF80, s21;
	[sflag:s12] =	ssyncadd.s32 @!p1 $0xFFFF8000  }
0x34: {  	[tilespmem:s11], [sflag:s23] =	stream.indirect.gather @!p1 [spmem:s1], $0x80, s0, s31, $0xb8;
	[tilespmem:$0x19C00] =	vst v63  }
0x35: {  	s21 =	sadd.s32 $0x100, s21;
	s26 =	sadd.s32 $0x1000, s26  }
0x36: {  	[tilespmem:s30], [sflag:s23] =	stream.indirect.gather @!p1 [spmem:s1], $0x80, s28, s31, $0xb8;
	[tilespmem:$0x19C00] =	vst v63  }
0x37: {  	s0 =	sadd.s32 $0x1, s25  }
0x38: {  	_ =	swait.ge [sflag:s0], $0x8000  }
0x39: {  	p1 =	sgt.u32 s22, $0x16;
	[sflag:s0] =	ssyncset.done $0x0  }
0x3a: {  	s11 =	sadd.s32 $0x9C00, s24;
	s12 =	sadd.s32 $0x3, s25;
	[sflag:s0] =	ssyncadd.s32 $0xFFFF8000  }
0x3b: {  	[hbm4b:s26+s2] =	stream.linear.scatter [tilespmem:s11], [sflag:s12], $0x8000, $0x38;
	[tilespmem:$0x19C00] =	vst v63  }
0x3c: {  	_ =	swait.ge @!p1 [sflag:s12], $0x8000  }
0x3d: {  	[sflag:s12] =	ssyncset.done @!p1 $0x0  }
0x3e: {  	s22 =	simm.s32 @!p1 $0x80;
	[sflag:s12] =	ssyncadd.s32 @!p1 $0xFFFF8000;
	s12 =	sadd.s32 @!p1 $0xFFFFFF80, s21  }
0x3f: {  	[tilespmem:s11], [sflag:s0] =	stream.indirect.gather @!p1 [spmem:s1], $0x80, s12, s22, $0xb8;
	[tilespmem:$0x19C00] =	vst v63  }
0x40: {  	s20 =	sadd.s32 $0x1, s20;
	s11 =	sadd.s32 @!p1 $0xDC00, s24  }
0x41: {  	[tilespmem:s11], [sflag:s0] =	stream.indirect.gather @!p1 [spmem:s1], $0x80, s21, s22, $0xb8;
	[tilespmem:$0x19C00] =	vst v63  }
0x42: {  	p1 =	sne.s32 s20, s5;
	_ =	swait.ge [sflag:s18], $0x8000  }
.Ltmp1:
0x43: {  	[sflag:s18] =	ssyncset.done $0x0;
	(pc) =	sbr.rel @p1 .LBB2_1-.Ltmp1, $4  }
0x44: {  	[sflag:s18] =	ssyncadd.s32 $0xFFFF8000  }
0x45: {  	_ =	swait.ge [sflag:s19], $0x8000  }
0x46: {  	[sflag:s19] =	ssyncset.done $0x0  }
0x47: {  	[sflag:s19] =	ssyncadd.s32 $0xFFFF8000  }
0x48: {  	_ =	sfence.sel $0x180000  }
0x49: {  	[bflag:$0x0] =	sbarrier.arrive $0xFFFF  }
0x4a: {  	_ =	strace $0x9000004A  }
0x4b: {  	[bflag:$0x2] =	sbarrier.arrive $0xFFFF  }
0x4c: {  	s0 =	rddreg [dreg:$0x2]  }
0x4d: {  	s0 =	sadd.s32 @!p0 $0x100000, s0  }
0x4e: {  	[sflag:s0] =	ssyncadd.tile.s32 @!p0 $0x1;
	_ =	shalt  }
.Lfunc_end2:
_tile_overlayer_lowered:
.L_overlay_start_2:
0x4f: {  	(tag) =	ssettag $0x2  }
0x50: {  	s0 =	rddreg [dreg:$0x0];
	s2 =	stileid.u32  }
0x51: {  	s1 =	rddreg [dreg:$0x1];
	p0 =	sne.s32 s2, $0x0  }
0x52: {  	s3 =	rddreg [dreg:$0x2];
	[bflag:$0x3] =	sbarrier.arrive $0xFFFF;
	s2 =	simm.s32 @!p0 $0x1C05  }
0x53: {  	[timem:s3], [sflag:s2] =	dma.local @!p0 [hbm:s0], s1  }
0x54: {  	s0 =	simm.s32 @!p0 $0x5  }
0x55: {  	_ =	swait.ge @!p0 [sflag:s0], s1  }
0x56: {  	s1 =	ssub.s32 @!p0 $0x0, s1;
	[sflag:s0] =	ssyncset.done @!p0 $0x0  }
0x57: {  	[sflag:s0] =	ssyncadd.s32 @!p0 s1  }
0x58: {  	[bflag:$0x3] =	sbarrier.arrive $0xFFFF  }
0x59: {  	_ =	shalt  }

// kernel: kernel.9.cloned.1.call-start
scs
__scs_entry_jumppad:
0x0: {  	(pc) =	sbr.rel $0x88, $3  }
0x1: {  	(tag) =	ssettag $0x0;
	lr =	simm.s32 $0x1  }
0x2: {  	[smem:$0x3F9D] =	sst lr;
	_ =	strace $0xD0000000  }
0x3: {  	_ = 	snop  }
0x4: {  	_ = 	snop  }
0x5: {  	_ = 	snop  }
0x6: {  	_ = 	snop  }
0x7: {  	_ = 	snop  }
__scs_overlays_trampoline_lowered:
0x8: {  	[smem:$0x3FAC] =	sst s0  }
0x9: {  	[smem:$0x3FAD] =	sst s1  }
0xa: {  	[smem:$0x3FAE] =	sst s2  }
0xb: {  	[smem:$0x3FAF] =	sst s3  }
0xc: {  	[smem:$0x3FB0] =	sst s4  }
0xd: {  	[smem:$0x3FB1] =	sst s5  }
0xe: {  	[smem:$0x3FB2] =	sst s6  }
0xf: {  	[smem:$0x3FB3] =	sst s7  }
0x10: {  	[smem:$0x3FB4] =	sst s8  }
0x11: {  	[smem:$0x3FB5] =	sst s9;
	s0 =	simm.s32 @!p0 $0x0  }
0x12: {  	s1 =	sld [smem:$0x3F9B];
	s0 =	simm.s32 @p0 $0x1  }
0x13: {  	[smem:$0x3FB6] =	sst s0;
	s0 =	simm.s32 @!p1 $0x0  }
0x14: {  	s2 =	sld [smem:$0x3F9A];
	s0 =	simm.s32 @p1 $0x1  }
0x15: {  	[smem:$0x3FB7] =	sst s0;
	s0 =	simm.s32 @!p2 $0x0  }
0x16: {  	s3 =	sld [smem:$0x3FDB];
	s0 =	simm.s32 @p2 $0x1  }
0x17: {  	s4 =	simm.s32 $0x1BF5;
	[smem:$0x3FB9] =	sst s0  }
0x18: {  	s0 =	sld [smem:$0x3F9C];
	_ =	swait.ge [sflag:s4], $0x0  }
0x19: {  	s7 =	sld [smem:$0x3F9D]  }
0x1a: {  	s8 =	sadd.s32 $0xFFFFE003, lr  }
0x1b: {  	s9 =	sadd.s32 $0xFFFFFEF7, lr;
	s5 =	simm.s32 $0xFFFFFFFF;
	p2 =	slt.u32 s8, $0xFFFFF086  }
0x1c: {  	p1 =	slt.u32 s9, $0xF7A;
	s5 =	simm.s32 @!p2 $0x0  }
0x1d: {  	s5 =	simm.s32 @p1 $0x1;
	p0 =	seq.s32 s7, s2  }
0x1e: {  	s7 =	smul.u32 @!p0 $0xF7A, s2;
	p2 =	seq.s32 @!p0 s5, $0x0  }
0x1f: {  	s9 =	smul.u32 $0xF7A, s1;
	s8 =	simm.s32 @!p0 $0x1BF5;
	p2 =	por !p2, p0  }
0x20: {  	[sflag:s8] =	ssyncset.s32 @!p0 $0xFFFFF086;
	s6 =	sadd.s32 @!p0 s3, s7;
	s7 =	simm.s32 @!p0 $0x108  }
0x21: {  	s3 =	sadd.s32 s3, s9;
	s6 =	sadd.s32 @!p0 $0x88, s6;
	s7 =	simm.s32 @p2 $0x1082  }
0x22: {  	[simem:s7], [sflag:s8] =	dma.local @!p0 [hbm:s6], $0xF7A  }
0x23: {  	s9 =	sor.u32 $0xD0000000, s2;
	s6 =	simm.s32 $0x108;
	_ =	swait.ge @!p0 [sflag:s8], $0x0  }
0x24: {  	s3 =	sadd.s32 $0x88, s3;
	s6 =	simm.s32 @!p1 $0x1082;
	[sflag:s4] =	ssyncset.s32 $0xFFFFF086  }
0x25: {  	[simem:s6], [sflag:s4] =	dma.local [hbm:s3], $0xF7A  }
0x26: {  	[smem:$0x3F9D] =	sst s1;
	(tag) =	ssettag s2;
	_ =	strace s9  }
0x27: {  	s1 =	sld [smem:$0x3FAD]  }
0x28: {  	s2 =	sld [smem:$0x3FAE]  }
0x29: {  	s4 =	sld [smem:$0x3FB0]  }
0x2a: {  	p0 =	seq.s32 s5, $0x0;
	s5 =	sld [smem:$0x3FB1]  }
0x2b: {  	s6 =	sld [smem:$0x3FB2]  }
0x2c: {  	s7 =	sld [smem:$0x3FB3]  }
0x2d: {  	s3 =	simm.s32 $0x108;
	s8 =	sld [smem:$0x3FB4]  }
0x2e: {  	s3 =	simm.s32 @!p0 $0x1082;
	s9 =	sld [smem:$0x3FB5]  }
0x2f: {  	lr =	sadd.s32 s0, s3;
	s0 =	sld [smem:$0x3FAC]  }
0x30: {  	s3 =	sld [smem:$0x3FAF]  }
0x31: {  	[smem:$0x3FB8] =	sst s10  }
0x32: {  	s10 =	sld [smem:$0x3FB6];
	_ =	sdelay $0x3  }
0x33: {  	p0 =	seq.s32 s10, $0x1;
	s10 =	sld [smem:$0x3FB8];
	_ =	sdelay $0x3  }
0x34: {  	[smem:$0x3FB8] =	sst s10  }
0x35: {  	s10 =	sld [smem:$0x3FB7];
	_ =	sdelay $0x3  }
0x36: {  	p1 =	seq.s32 s10, $0x1;
	s10 =	sld [smem:$0x3FB8];
	_ =	sdelay $0x3  }
0x37: {  	[smem:$0x3FB8] =	sst s10  }
0x38: {  	s10 =	sld [smem:$0x3FB9]  }
0x39: {  	_ = 	snop;
	(pc) =	sbr.ind lr, $3  }
0x3a: {  	_ = 	snop  }
0x3b: {  	_ = 	snop  }
0x3c: {  	p2 =	seq.s32 s10, $0x1;
	s10 =	sld [smem:$0x3FB8]  }
0x3d: {  	_ =	shalt  }
0x3e: {  	_ =	shalt  }
0x3f: {  	_ =	shalt  }
0x40: {  	_ =	shalt  }
0x41: {  	_ =	shalt  }
0x42: {  	_ =	shalt  }
0x43: {  	_ =	shalt  }
0x44: {  	_ =	shalt  }
0x45: {  	_ =	shalt  }
0x46: {  	_ =	shalt  }
0x47: {  	_ =	shalt  }
0x48: {  	_ =	shalt  }
0x49: {  	_ =	shalt  }
0x4a: {  	_ =	shalt  }
0x4b: {  	_ =	shalt  }
0x4c: {  	_ =	shalt  }
0x4d: {  	_ =	shalt  }
0x4e: {  	_ =	shalt  }
0x4f: {  	_ =	shalt  }
0x50: {  	_ =	shalt  }
0x51: {  	_ =	shalt  }
0x52: {  	_ =	shalt  }
0x53: {  	_ =	shalt  }
0x54: {  	_ =	shalt  }
0x55: {  	_ =	shalt  }
0x56: {  	_ =	shalt  }
0x57: {  	_ =	shalt  }
0x58: {  	_ =	shalt  }
0x59: {  	_ =	shalt  }
0x5a: {  	_ =	shalt  }
0x5b: {  	_ =	shalt  }
0x5c: {  	_ =	shalt  }
0x5d: {  	_ =	shalt  }
0x5e: {  	_ =	shalt  }
0x5f: {  	_ =	shalt  }
0x60: {  	_ =	shalt  }
0x61: {  	_ =	shalt  }
0x62: {  	_ =	shalt  }
0x63: {  	_ =	shalt  }
0x64: {  	_ =	shalt  }
0x65: {  	_ =	shalt  }
0x66: {  	_ =	shalt  }
0x67: {  	_ =	shalt  }
0x68: {  	_ =	shalt  }
0x69: {  	_ =	shalt  }
0x6a: {  	_ =	shalt  }
0x6b: {  	_ =	shalt  }
0x6c: {  	_ =	shalt  }
0x6d: {  	_ =	shalt  }
0x6e: {  	_ =	shalt  }
0x6f: {  	_ =	shalt  }
0x70: {  	_ =	shalt  }
0x71: {  	_ =	shalt  }
0x72: {  	_ =	shalt  }
0x73: {  	_ =	shalt  }
0x74: {  	_ =	shalt  }
0x75: {  	_ =	shalt  }
0x76: {  	_ =	shalt  }
0x77: {  	_ =	shalt  }
0x78: {  	_ =	shalt  }
0x79: {  	_ =	shalt  }
0x7a: {  	_ =	shalt  }
0x7b: {  	_ =	shalt  }
0x7c: {  	_ =	shalt  }
0x7d: {  	_ =	shalt  }
0x7e: {  	_ =	shalt  }
0x7f: {  	_ =	shalt  }
0x80: {  	_ =	shalt  }
0x81: {  	_ =	shalt  }
0x82: {  	_ =	shalt  }
0x83: {  	_ =	shalt  }
0x84: {  	_ =	shalt  }
0x85: {  	_ =	shalt  }
0x86: {  	_ =	shalt  }
0x87: {  	_ =	shalt  }
.Lfunc_end0:
.L_simem_size_0:
called_computation_lowered:
.L_overlay_start_0:
0x88: {  	s2 =	sld [smem:$0x3FD9]  }
0x89: {  	s3 =	sld [smem:$0x3FFE];
	_ =	sdelay $0x1  }
0x8a: {  	s1 =	srdreg.scid  }
0x8b: {  	s0 =	sand.u32 $0x1, s1  }
0x8c: {  	s17 =	sshll.u32 s0, $0xA;
	s2 =	sadd.s32 s3, s2  }
0x8d: {  	s2 =	sadd.s32 s2, s17  }
0x8e: {  	[smem:$0x3FC4] =	sst s2  }
0x8f: {  	_ = 	snop  }
0x90: {  	s2 =	sld [smem:$0x3FD0];
	(tm) =	ssettm $0x1  }
0x91: {  	s18 =	sld [smem:$0x3FFB];
	_ =	sdelay $0x3  }
0x92: {  	_ =	strace s18  }
0x93: {  	s3 =	sld [smem:$0x3FFC];
	_ =	sdelay $0x3  }
0x94: {  	_ =	strace s3  }
0x95: {  	s3 =	sld [smem:$0x3FFD];
	_ =	sdelay $0x3  }
0x96: {  	_ =	strace s3  }
0x97: {  	_ =	strace $0x8FFFFFFF  }
0x98: {  	s19 =	sld [smem:$0x3FDB];
	_ =	sdelay $0x1  }
0x99: {  	s4 =	simm.s32 $_scs_section_size  }
0x9a: {  	s5 =	simm.s32 $_size__tile_overlayer_lowered;
	s6 =	simm.s32 $_tile_overlayer_lowered  }
0x9b: {  	s22 =	simm.s32 $0x1BFF;
	s21 =	sshll.u32 s6, $0x1;
	s3 =	sadd.s32 s4, s19  }
0x9c: {  	s7 =	simm.s32 $0x0;
	s20 =	sshll.u32 s5, $0x1;
	s5 =	sadd.s32 s21, s3  }
0x9d: {  	[timem:s7], [sflag:s22] =	dma.local [hbm:s5], s20  }
0x9e: {  	_ =	swait.ge [sflag:s22], s20  }
0x9f: {  	s4 =	ssub.s32 $0x0, s20;
	[sflag:s22] =	ssyncset.done $0x0  }
0xa0: {  	[sflag:s22] =	ssyncadd.s32 s4;
	_ =	sdelay $0x1  }
0xa1: {  	s23 =	simm.s32 $0x1B8B  }
0xa2: {  	_ =	swait.ge [sflag:s23], $0x1  }
0xa3: {  	[sflag:s23] =	ssyncset.done $0x0  }
0xa4: {  	s25 =	simm.s32 $0x1B8E;
	s24 =	sld [smem:$0x3FFE];
	[sflag:s23] =	ssyncadd.s32 $0xFFFFFFFF  }
0xa5: {  	s26 =	simm.s32 $execute0_lowered;
	[smem:$0x3FD2] =	sst s25  }
0xa6: {  	s5 =	sshll.u32 s26, $0x1;
	_ =	strace $0x80000046;
	[dreg:$0x1] =	wrdreg $0xFFFFFFFF  }
0xa7: {  	s28 =	simm.s32 $_size_execute0_lowered;
	s3 =	sadd.s32 s3, s5;
	[dreg:$0x0] =	wrdreg $0x0  }
0xa8: {  	s5 =	sshll.u32 s28, $0x1;
	[dreg:$0x2] =	wrdreg s3  }
0xa9: {  	[dreg:$0x3] =	wrdreg s5  }
0xaa: {  	[dreg:$0x4] =	wrdreg $0xC0  }
0xab: {  	_ =	task [dreg:s7], $0x5FFFF  }
0xac: {  	[dreg:$0x1] =	wrdreg $0xFFFFFFFF  }
0xad: {  	[dreg:$0x0] =	wrdreg $0x60  }
0xae: {  	[dreg:$0x2] =	wrdreg s24  }
0xaf: {  	[dreg:$0x3] =	wrdreg s2  }
0xb0: {  	[dreg:$0x4] =	wrdreg $0x0  }
0xb1: {  	[dreg:$0x5] =	wrdreg $0x9  }
0xb2: {  	_ =	task.clear_ibuf [dreg:s7], $0x6FFFF;
	_ =	strace $0x90000046  }
0xb3: {  	s29 =	simm.s32 $0x9;
	_ =	strace $0x80000048  }
0xb4: {  	_ =	swait.ge [sflag:s29], $0x1  }
0xb5: {  	[sflag:s29] =	ssyncadd.s32 $0xFFFFFFFF  }
0xb6: {  	_ =	strace $0x90000048  }
0xb7: {  	_ =	sfence  }
0xb8: {  	s30 =	sld [smem:$0x0];
	_ =	sdelay $0x2  }
0xb9: {  	s31 =	sshll.u32 s1, $0xD;
	s1 =	sshrl.u32 s1, $0x2  }
0xba: {  	s3 =	sand.u32 $0x4000, s31;
	s1 =	sadd.s32 s1, s30  }
0xbb: {  	s0 =	sor.u32 s3, s0;
	s1 =	sshll.u32 s1, $0x11  }
0xbc: {  	s0 =	sor.u32 s1, s0  }
0xbd: {  	s0 =	sadd.s32 $0x8F2B, s0  }
0xbe: {  	[sflag:s0] =	ssyncadd.remote.s32 $0x1  }
0xbf: {  	_ =	sfence.sel $0xFFFF  }
0xc0: {  	[dreg:$0x0] =	wrdreg $0xFFFFFFFF;
	(pc) =	sbr.abs _section_cstart, $3  }
0xc1: {  	[dreg:$0x1] =	wrdreg $0xFFFFFFFF  }
0xc2: {  	_ =	task.clear_ibuf [dreg:s7], $0x2FFFF;
	_ =	strace $0x9FFFFFFF  }
0xc3: {  	(tm) =	ssettm $0x7FFFFFFF  }
tec
execute0_lowered:
.L_overlay_start_1:
0x0: {  	(tag) =	ssettag $0x1  }
0x1: {  	s4 =	rddreg [dreg:$0x0]  }
0x2: {  	s5 =	rddreg [dreg:$0x1]  }
0x3: {  	s1 =	rddreg [dreg:$0x2];
	s3 =	srdreg.scid  }
0x4: {  	s6 =	stileid.u32;
	s2 =	simm.s32 $0x0;
	s13 =	simm.s32 $0xDC00  }
0x5: {  	s14 =	simm.s32 $0x8100;
	s15 =	simm.s32 $0x11C00;
	s16 =	simm.s32 $0x8180  }
0x6: {  	s17 =	simm.s32 $0x15C00;
	s18 =	simm.s32 $0x3;
	s19 =	simm.s32 $0x4  }
0x7: {  	s20 =	simm.s32 $0x0;
	s3 =	sand.u32 $0x1, s3;
	s7 =	smul.u32 $0x190000, s6  }
0x8: {  	[smem:$0x7FF] =	sst s2;
	s9 =	sshll.u32 s6, $0x1;
	s8 =	smul.u32 $0xC8000, s3  }
0x9: {  	p0 =	sne.s32 s6, $0x0;
	_ =	strace $0x80000047;
	s30 =	ssub.s32 $0x2, s3  }
0xa: {  	s3 =	sor.u32 s3, s9;
	s9 =	simm.s32 $0x5;
	s7 =	sadd.s32 s8, s7  }
0xb: {  	s31 =	sshrl.u32 s30, $0x1;
	s10 =	smul.u32 $0x380, s3;
	s7 =	sshrl.u32 s7, $0x3  }
0xc: {  	s3 =	sadd.s32 $0x1200, s4;
	s8 =	ssub.s32 s30, s31;
	s7 =	sadd.s32 s7, s4  }
0xd: {  	s4 =	sadd.s32 s5, s10;
	s5 =	smax.u32 s8, $0x1;
	s8 =	simm.s32 $0x8000  }
0xe: {  	s10 =	simm.s32 $0x80;
	s6 =	sadd.s32 $0x11200, s7;
	s7 =	sshrl.u32 @!p0 s1, $0x3  }
.LBB2_1:
0xf: {  	s21 =	simm.s32 @!p0 $0x1C05  }
0x10: {  	[spmem:s7], [sflag:s21] =	dma.local @!p0 [hbm:s3], $0x10000  }
0x11: {  	s21 =	simm.s32 @!p0 $0x5  }
0x12: {  	_ =	swait.ge @!p0 [sflag:s21], $0x10000  }
0x13: {  	[sflag:s21] =	ssyncset.done @!p0 $0x0  }
0x14: {  	[sflag:s21] =	ssyncadd.s32 @!p0 $0xFFFF0000  }
0x15: {  	[bflag:$0x0] =	sbarrier.arrive $0xFFFF  }
0x16: {  	[tilespmem:s8], [sflag:$0x5] =	stream.linear.gather [hbm4b:s4+s2], $0x1900, $0x38;
	[tilespmem:$0x19C00] =	vst v63  }
0x17: {  	_ =	swait.ge [sflag:s9], $0x1900  }
0x18: {  	[sflag:s9] =	ssyncset.done $0x0  }
0x19: {  	s0 =	simm.s32 $0x9C00;
	[sflag:s9] =	ssyncadd.s32 $0xFFFFE700  }
0x1a: {  	[tilespmem:s0], [sflag:$0x1] =	stream.indirect.gather [spmem:s1], $0x80, s8, s10, $0xb8;
	[tilespmem:$0x19C00] =	vst v63  }
0x1b: {  	s24 =	simm.s32 $0x8080  }
0x1c: {  	[tilespmem:s13], [sflag:$0x1] =	stream.indirect.gather [spmem:s1], $0x80, s24, s10, $0xb8;
	[tilespmem:$0x19C00] =	vst v63  }
0x1d: {  	s25 =	sand.u32 $0x1, s2  }
0x1e: {  	[tilespmem:s15], [sflag:$0x2] =	stream.indirect.gather [spmem:s1], $0x80, s14, s10, $0xb8;
	[tilespmem:$0x19C00] =	vst v63  }
0x1f: {  	s23 =	sadd.s32 $0x1, s25  }
0x20: {  	[tilespmem:s17], [sflag:$0x2] =	stream.indirect.gather [spmem:s1], $0x80, s16, s10, $0xb8;
	[tilespmem:$0x19C00] =	vst v63  }
0x21: {  	p1 =	por $0x0, $0x0;
	_ =	swait.ge [sflag:s23], $0x8000  }
0x22: {  	s22 =	simm.s32 $0x1;
	s26 =	sshll.u32 s25, $0xF;
	[sflag:s23] =	ssyncset.done $0x0  }
0x23: {  	s21 =	sadd.s32 $0x3, s25;
	s24 =	sadd.s32 $0x9C00, s26;
	[sflag:s23] =	ssyncadd.s32 $0xFFFF8000  }
0x24: {  	[hbm4b:s6+s2] =	stream.linear.scatter [tilespmem:s24], [sflag:s21], $0x8000, $0x38;
	[tilespmem:$0x19C00] =	vst v63  }
0x25: {  	s28 =	simm.s32 $0x8280;
	s29 =	simm.s32 $0x2;
	_ =	swait.ge @!p1 [sflag:s21], $0x8000  }
0x26: {  	s31 =	simm.s32 @!p1 $0x80;
	s30 =	sadd.s32 @!p1 $0xDC00, s26;
	[sflag:s21] =	ssyncset.done @!p1 $0x0  }
0x27: {  	s25 =	sand.u32 $0x1, s22;
	[sflag:s21] =	ssyncadd.s32 @!p1 $0xFFFF8000;
	s21 =	simm.s32 @!p1 $0x8200  }
0x28: {  	[tilespmem:s24], [sflag:s23] =	stream.indirect.gather @!p1 [spmem:s1], $0x80, s21, s31, $0xb8;
	[tilespmem:$0x19C00] =	vst v63  }
0x29: {  	s26 =	sadd.s32 $0x1000, s6;
	s24 =	sshll.u32 s25, $0xF;
	s21 =	simm.s32 $0x8380  }
.LBB2_2:
0x2a: {  	[tilespmem:s30], [sflag:s23] =	stream.indirect.gather @!p1 [spmem:s1], $0x80, s28, s31, $0xb8;
	[tilespmem:$0x19C00] =	vst v63  }
0x2b: {  	s30 =	smov.u32 s29;
	s28 =	smov.u32 s21  }
0x2c: {  	s29 =	sadd.s32 $0x1, s29;
	s23 =	sadd.s32 $0x1, s25;
	s31 =	sand.u32 $0x1, s30  }
0x2d: {  	p2 =	sne.s32 s29, $0x19;
	s0 =	sshll.u32 s31, $0xF;
	_ =	swait.ge [sflag:s23], $0x8000  }
0x2e: {  	p1 =	sgt.u32 s22, $0x16;
	s22 =	smov.u32 s30;
	[sflag:s23] =	ssyncset.done $0x0  }
0x2f: {  	s11 =	sadd.s32 $0x9C00, s24;
	s12 =	sadd.s32 $0x3, s25;
	[sflag:s23] =	ssyncadd.s32 $0xFFFF8000  }
0x30: {  	[hbm4b:s26+s2] =	stream.linear.scatter [tilespmem:s11], [sflag:s12], $0x8000, $0x38;
	[tilespmem:$0x19C00] =	vst v63  }
.Ltmp0:
0x31: {  	s30 =	sadd.s32 @!p1 $0xDC00, s24;
	_ =	swait.ge @!p1 [sflag:s12], $0x8000;
	(pc) =	sbr.rel @p2 .LBB2_2-.Ltmp0, $4  }
0x32: {  	s25 =	smov.u32 s31;
	s24 =	smov.u32 s0;
	[sflag:s12] =	ssyncset.done @!p1 $0x0  }
0x33: {  	s31 =	simm.s32 @!p1 $0x80;
	s0 =	sadd.s32 @!p1 $0xFFFFFF80, s21;
	[sflag:s12] =	ssyncadd.s32 @!p1 $0xFFFF8000  }
0x34: {  	[tilespmem:s11], [sflag:s23] =	stream.indirect.gather @!p1 [spmem:s1], $0x80, s0, s31, $0xb8;
	[tilespmem:$0x19C00] =	vst v63  }
0x35: {  	s21 =	sadd.s32 $0x100, s21;
	s26 =	sadd.s32 $0x1000, s26  }
0x36: {  	[tilespmem:s30], [sflag:s23] =	stream.indirect.gather @!p1 [spmem:s1], $0x80, s28, s31, $0xb8;
	[tilespmem:$0x19C00] =	vst v63  }
0x37: {  	s0 =	sadd.s32 $0x1, s25  }
0x38: {  	_ =	swait.ge [sflag:s0], $0x8000  }
0x39: {  	p1 =	sgt.u32 s22, $0x16;
	[sflag:s0] =	ssyncset.done $0x0  }
0x3a: {  	s11 =	sadd.s32 $0x9C00, s24;
	s12 =	sadd.s32 $0x3, s25;
	[sflag:s0] =	ssyncadd.s32 $0xFFFF8000  }
0x3b: {  	[hbm4b:s26+s2] =	stream.linear.scatter [tilespmem:s11], [sflag:s12], $0x8000, $0x38;
	[tilespmem:$0x19C00] =	vst v63  }
0x3c: {  	_ =	swait.ge @!p1 [sflag:s12], $0x8000  }
0x3d: {  	[sflag:s12] =	ssyncset.done @!p1 $0x0  }
0x3e: {  	s22 =	simm.s32 @!p1 $0x80;
	[sflag:s12] =	ssyncadd.s32 @!p1 $0xFFFF8000;
	s12 =	sadd.s32 @!p1 $0xFFFFFF80, s21  }
0x3f: {  	[tilespmem:s11], [sflag:s0] =	stream.indirect.gather @!p1 [spmem:s1], $0x80, s12, s22, $0xb8;
	[tilespmem:$0x19C00] =	vst v63  }
0x40: {  	s20 =	sadd.s32 $0x1, s20;
	s11 =	sadd.s32 @!p1 $0xDC00, s24  }
0x41: {  	[tilespmem:s11], [sflag:s0] =	stream.indirect.gather @!p1 [spmem:s1], $0x80, s21, s22, $0xb8;
	[tilespmem:$0x19C00] =	vst v63  }
0x42: {  	p1 =	sne.s32 s20, s5;
	_ =	swait.ge [sflag:s18], $0x8000  }
.Ltmp1:
0x43: {  	[sflag:s18] =	ssyncset.done $0x0;
	(pc) =	sbr.rel @p1 .LBB2_1-.Ltmp1, $4  }
0x44: {  	[sflag:s18] =	ssyncadd.s32 $0xFFFF8000  }
0x45: {  	_ =	swait.ge [sflag:s19], $0x8000  }
0x46: {  	[sflag:s19] =	ssyncset.done $0x0  }
0x47: {  	[sflag:s19] =	ssyncadd.s32 $0xFFFF8000  }
0x48: {  	_ =	sfence.sel $0x180000  }
0x49: {  	[bflag:$0x0] =	sbarrier.arrive $0xFFFF  }
0x4a: {  	_ =	strace $0x90000047  }
0x4b: {  	[bflag:$0x2] =	sbarrier.arrive $0xFFFF  }
0x4c: {  	s0 =	rddreg [dreg:$0x3]  }
0x4d: {  	s0 =	sadd.s32 @!p0 $0x100000, s0  }
0x4e: {  	[sflag:s0] =	ssyncadd.tile.s32 @!p0 $0x1;
	_ =	shalt  }
.Lfunc_end2:
_tile_overlayer_lowered:
.L_overlay_start_2:
0x4f: {  	(tag) =	ssettag $0x2  }
0x50: {  	s0 =	rddreg [dreg:$0x0];
	s2 =	stileid.u32  }
0x51: {  	s1 =	rddreg [dreg:$0x1];
	p0 =	sne.s32 s2, $0x0  }
0x52: {  	s3 =	rddreg [dreg:$0x2];
	[bflag:$0x3] =	sbarrier.arrive $0xFFFF;
	s2 =	simm.s32 @!p0 $0x1C05  }
0x53: {  	[timem:s3], [sflag:s2] =	dma.local @!p0 [hbm:s0], s1  }
0x54: {  	s0 =	simm.s32 @!p0 $0x5  }
0x55: {  	_ =	swait.ge @!p0 [sflag:s0], s1  }
0x56: {  	s1 =	ssub.s32 @!p0 $0x0, s1;
	[sflag:s0] =	ssyncset.done @!p0 $0x0  }
0x57: {  	[sflag:s0] =	ssyncadd.s32 @!p0 s1  }
0x58: {  	[bflag:$0x3] =	sbarrier.arrive $0xFFFF  }
0x59: {  	_ =	shalt  }

</sc_bundles>
